<compile_context>
chip_gen: v7x
topology: tpu7x:2x2x1
jax: 0.10.2.dev20260603
libtpu: 0.0.44.dev20260713+nightly
codegen_flags: <defaults>
</compile_context>

<pallas_src>
import jax
import jax.numpy as jnp
from jax import lax
from jax.experimental import pallas as pl
from jax.experimental.pallas import tpu as pltpu
from jax.experimental.pallas import tpu_sc as plsc

N = 10000
D = 128
E = 320000
NC = 2
NS = 16
NW = NC * NS
EP = E // NW
CH = 100
NCHUNK = EP // CH
NP = 10240
RPT = NP // NS

_MESH = plsc.VectorSubcoreMesh(
    core_axis_name="c", subcore_axis_name="s", num_cores=NC, num_subcores=NS
)


def _deg_body(dst3, zrow, ones, out, acc, dstv, onesv, ssem):
    c = lax.axis_index("c")
    s = lax.axis_index("s")
    wid = s * NC + c
    pltpu.sync_copy(zrow, acc.at[pl.ds(s * RPT, RPT)])
    pltpu.sync_copy(ones, onesv)
    pltpu.sync_copy(dst3.at[wid], dstv)
    plsc.subcore_barrier()

    @pl.loop(0, NCHUNK, step=10)
    def _grp(j):
        for q in range(10):
            pltpu.async_copy(
                onesv.at[pl.ds(0, CH)], acc.at[dstv.at[j + q]], ssem, add=True)
        for q in range(10):
            pltpu.make_async_copy(
                onesv.at[pl.ds(0, CH)], acc.at[dstv.at[j + q]], ssem).wait()

    plsc.subcore_barrier()
    pltpu.sync_copy(acc.at[pl.ds(s * RPT, RPT)], out.at[c, pl.ds(s * RPT, RPT)])


_deg_call = pl.kernel(
    _deg_body,
    out_type=jax.ShapeDtypeStruct((NC, NP), jnp.float32),
    mesh=_MESH,
    scratch_types=[
        pltpu.VMEM_SHARED((NP,), jnp.float32),
        pltpu.VMEM((NCHUNK, CH), jnp.int32),
        pltpu.VMEM((128,), jnp.float32),
        pltpu.SemaphoreType.DMA,
    ],
)


def _agg_body(hp, src3, dst3, zrows, out, acc,
              dstv, s0, s1, rows0, rows1, isem0, isem1, gsem0, gsem1,
              zsem, dsem):
    c = lax.axis_index("c")
    s = lax.axis_index("s")
    wid = s * NC + c
    pltpu.async_copy(zrows, acc.at[pl.ds(s * RPT, RPT)], zsem)
    pltpu.async_copy(dst3.at[wid], dstv, dsem)
    pltpu.async_copy(src3.at[wid, pl.ds(0, 1)], s0, isem0)
    pltpu.async_copy(src3.at[wid, pl.ds(1, 1)], s1, isem1)

    pltpu.make_async_copy(src3.at[wid, pl.ds(0, 1)], s0, isem0).wait()
    pltpu.async_copy(hp.at[s0.at[0]], rows0, gsem0)

    pltpu.make_async_copy(zrows, acc.at[pl.ds(s * RPT, RPT)], zsem).wait()
    pltpu.make_async_copy(dst3.at[wid], dstv, dsem).wait()
    plsc.subcore_barrier()

    @pl.loop(0, NCHUNK - 2, step=2)
    def _pair(j):
        pltpu.make_async_copy(hp.at[s0.at[0]], rows0, gsem0).wait()
        pltpu.async_copy(src3.at[wid, pl.ds(j + 2, 1)], s0, isem0)
        pltpu.make_async_copy(src3.at[wid, pl.ds(j + 1, 1)], s1, isem1).wait()
        pltpu.async_copy(hp.at[s1.at[0]], rows1, gsem1)
        pltpu.sync_copy(rows0, acc.at[dstv.at[j]], add=True)
        pltpu.make_async_copy(hp.at[s1.at[0]], rows1, gsem1).wait()
        pltpu.async_copy(src3.at[wid, pl.ds(j + 3, 1)], s1, isem1)
        pltpu.make_async_copy(src3.at[wid, pl.ds(j + 2, 1)], s0, isem0).wait()
        pltpu.async_copy(hp.at[s0.at[0]], rows0, gsem0)
        pltpu.sync_copy(rows1, acc.at[dstv.at[j + 1]], add=True)

    pltpu.make_async_copy(hp.at[s0.at[0]], rows0, gsem0).wait()
    pltpu.make_async_copy(src3.at[wid, pl.ds(NCHUNK - 1, 1)], s1, isem1).wait()
    pltpu.async_copy(hp.at[s1.at[0]], rows1, gsem1)
    pltpu.sync_copy(rows0, acc.at[dstv.at[NCHUNK - 2]], add=True)
    pltpu.make_async_copy(hp.at[s1.at[0]], rows1, gsem1).wait()
    pltpu.sync_copy(rows1, acc.at[dstv.at[NCHUNK - 1]], add=True)

    plsc.subcore_barrier()
    pltpu.sync_copy(acc.at[pl.ds(s * RPT, RPT)], out.at[c, pl.ds(s * RPT, RPT)])


_agg_call = pl.kernel(
    _agg_body,
    out_type=jax.ShapeDtypeStruct((NC, NP, D), jnp.float32),
    mesh=_MESH,
    scratch_types=[
        pltpu.VMEM_SHARED((NP, D), jnp.float32),
        pltpu.VMEM((NCHUNK, CH), jnp.int32),
        pltpu.VMEM((1, CH), jnp.int32),
        pltpu.VMEM((1, CH), jnp.int32),
        pltpu.VMEM((CH, D), jnp.float32),
        pltpu.VMEM((CH, D), jnp.float32),
        pltpu.SemaphoreType.DMA,
        pltpu.SemaphoreType.DMA,
        pltpu.SemaphoreType.DMA,
        pltpu.SemaphoreType.DMA,
        pltpu.SemaphoreType.DMA,
        pltpu.SemaphoreType.DMA,
    ],
)


BM = 1000


def _mm_body(x_ref, w_ref, o_ref):
    o_ref[...] = jnp.dot(x_ref[...], w_ref[...],
                         preferred_element_type=jnp.float32)


_mm_call = pl.pallas_call(
    _mm_body,
    grid=(N // BM,),
    in_specs=[
        pl.BlockSpec((BM, D), lambda i: (i, 0)),
        pl.BlockSpec((D, D), lambda i: (0, 0)),
    ],
    out_specs=pl.BlockSpec((BM, D), lambda i: (i, 0)),
    out_shape=jax.ShapeDtypeStruct((N, D), jnp.float32),
)


def _scale_body(h_ref, deg_ref, o_ref):
    o_ref[...] = h_ref[...] * lax.rsqrt(deg_ref[...])


_scale_call = pl.pallas_call(
    _scale_body,
    grid=(N // BM,),
    in_specs=[
        pl.BlockSpec((BM, D), lambda i: (i, 0)),
        pl.BlockSpec((BM, 1), lambda i: (i, 0)),
    ],
    out_specs=pl.BlockSpec((BM, D), lambda i: (i, 0)),
    out_shape=jax.ShapeDtypeStruct((N, D), jnp.float32),
)


def _mid_body(agg_ref, hp_ref, deg_ref, w_ref, b_ref, o_ref):
    d = lax.rsqrt(deg_ref[...])
    z = (agg_ref[0] + agg_ref[1] + hp_ref[...]) * d + b_ref[...]
    h2 = jnp.dot(z, w_ref[...], preferred_element_type=jnp.float32)
    o_ref[...] = h2 * d


_mid_call = pl.pallas_call(
    _mid_body,
    grid=(N // BM,),
    in_specs=[
        pl.BlockSpec((NC, BM, D), lambda i: (0, i, 0)),
        pl.BlockSpec((BM, D), lambda i: (i, 0)),
        pl.BlockSpec((BM, 1), lambda i: (i, 0)),
        pl.BlockSpec((D, D), lambda i: (0, 0)),
        pl.BlockSpec((1, D), lambda i: (0, 0)),
    ],
    out_specs=pl.BlockSpec((BM, D), lambda i: (i, 0)),
    out_shape=jax.ShapeDtypeStruct((N, D), jnp.float32),
)


def _fin_body(agg_ref, hp_ref, deg_ref, b_ref, out_ref, hf_ref):
    d = lax.rsqrt(deg_ref[...])
    hf = (agg_ref[0] + agg_ref[1] + hp_ref[...]) * d + b_ref[...]
    m = jnp.max(hf, axis=1, keepdims=True)
    ex = jnp.exp(hf - m)
    lse = m + jnp.log(jnp.sum(ex, axis=1, keepdims=True))
    out_ref[...] = hf - lse
    hf_ref[...] = hf


_fin_call = pl.pallas_call(
    _fin_body,
    grid=(N // BM,),
    in_specs=[
        pl.BlockSpec((NC, BM, D), lambda i: (0, i, 0)),
        pl.BlockSpec((BM, D), lambda i: (i, 0)),
        pl.BlockSpec((BM, 1), lambda i: (i, 0)),
        pl.BlockSpec((1, D), lambda i: (0, 0)),
    ],
    out_specs=[
        pl.BlockSpec((BM, D), lambda i: (i, 0)),
        pl.BlockSpec((BM, D), lambda i: (i, 0)),
    ],
    out_shape=[
        jax.ShapeDtypeStruct((N, D), jnp.float32),
        jax.ShapeDtypeStruct((N, D), jnp.float32),
    ],
)


def kernel(x, edge_index, W1, b1, W2, b2):
    src3 = edge_index[0].reshape(NW, NCHUNK, CH)
    dst3 = edge_index[1].reshape(NW, NCHUNK, CH)
    zrow = jnp.zeros((RPT,), jnp.float32)
    zrows = jnp.zeros((RPT, D), jnp.float32)
    ones = jnp.ones((128,), jnp.float32)

    degp = _deg_call(dst3, zrow, ones)
    h1 = _mm_call(x, W1)
    degc = (degp[0, :N] + degp[1, :N] + 1.0).reshape(N, 1)

    h1p = _scale_call(h1, degc)
    a1 = _agg_call(h1p, src3, dst3, zrows)
    h2p = _mid_call(a1, h1p, degc, W2, b1.reshape(1, D))
    a2 = _agg_call(h2p, src3, dst3, zrows)
    out, hf = _fin_call(a2, h2p, degc, b2.reshape(1, D))
    return out, hf

# --- scband reference (transcript-rebuilt; emitter-appended) ---
"""Pipeline reference for scband-gcn-3624952398780 (READ-ONLY COPY).

The authoritative reference and input builder live on the scoring server;
editing this copy changes nothing except your own understanding.
"""

import jax, jax.numpy as jnp
import numpy as np

N_NODES = 10000
D_IN = 128
D_HID = 128
D_OUT = 128
N_EDGES = 320000


def _glorot(key, shape):
    fan_in, fan_out = shape[0], shape[1]
    limit = (6.0 / (fan_in + fan_out)) ** 0.5
    return jax.random.uniform(key, shape, jnp.float32, -limit, limit)


def setup_inputs(seed: int = 0) -> dict:
    key = jax.random.key(seed)
    k1, k2, k3, k4 = jax.random.split(key, 4)
    x = jax.random.normal(k1, (N_NODES, D_IN), dtype=jnp.float32)
    edge_index = jax.random.randint(k2, (2, N_EDGES), 0, N_NODES, dtype=jnp.int64 if jax.config.jax_enable_x64 else jnp.int32).astype(jnp.int32)
    W1 = _glorot(k3, (D_IN, D_HID))
    b1 = jnp.zeros((D_HID,), dtype=jnp.float32)
    W2 = _glorot(k4, (D_HID, D_OUT))
    b2 = jnp.zeros((D_OUT,), dtype=jnp.float32)
    return {"x": x, "edge_index": edge_index, "W1": W1, "b1": b1, "W2": W2, "b2": b2}


def _gcn_conv(x, edge_index, W, b, n_nodes):
    # PyG GCNConv: add self-loops, symmetric normalization D^{-1/2} A D^{-1/2}
    src = edge_index[0]
    dst = edge_index[1]
    loop = jnp.arange(n_nodes, dtype=src.dtype)
    src = jnp.concatenate([src, loop])
    dst = jnp.concatenate([dst, loop])
    deg = jnp.zeros((n_nodes,), dtype=x.dtype).at[dst].add(1.0)
    deg_inv_sqrt = jnp.where(deg > 0, deg ** -0.5, 0.0)
    norm = deg_inv_sqrt[src] * deg_inv_sqrt[dst]
    h = x @ W
    msg = h[src] * norm[:, None]
    out = jnp.zeros((n_nodes, h.shape[1]), dtype=x.dtype).at[dst].add(msg)
    return out + b


def reference(x, edge_index, W1, b1, W2, b2):
    n_nodes = x.shape[0]
    h = _gcn_conv(x, edge_index, W1, b1, n_nodes)
    h = _gcn_conv(h, edge_index, W2, b2, n_nodes)
    out = jax.nn.log_softmax(h, axis=1)
    return (out, h)

if __name__ == "__main__":
    import jax
    _d = setup_inputs()
    print(jax.jit(kernel)(*tuple(_d.values())))

</pallas_src>

<mosaic_0001>
#map = affine_map<(d0, d1) -> (0, 0)>
#map1 = affine_map<(d0, d1) -> (0, 0, 0)>
module attributes {stable_mosaic.version = 14 : i64} {
  func.func @_agg_body(%arg0: i32, %arg1: i32, %arg2: memref<10000x128xf32, #tpu.memory_space<hbm>>, %arg3: memref<32x100x100xi32, #tpu.memory_space<hbm>>, %arg4: memref<32x100x100xi32, #tpu.memory_space<hbm>>, %arg5: memref<640x128xf32, #tpu.memory_space<hbm>>, %arg6: memref<2x10240x128xf32, #tpu.memory_space<hbm>>, %arg7: memref<10240x128xf32, #tpu.memory_space<vmem_shared>>, %arg8: memref<100x100xi32, #tpu.memory_space<vmem>>, %arg9: memref<1x100xi32, #tpu.memory_space<vmem>>, %arg10: memref<1x100xi32, #tpu.memory_space<vmem>>, %arg11: memref<100x128xf32, #tpu.memory_space<vmem>>, %arg12: memref<100x128xf32, #tpu.memory_space<vmem>>, %arg13: memref<!tpu.dma_semaphore, #tpu.memory_space<semaphore_mem>>, %arg14: memref<!tpu.dma_semaphore, #tpu.memory_space<semaphore_mem>>, %arg15: memref<!tpu.dma_semaphore, #tpu.memory_space<semaphore_mem>>, %arg16: memref<!tpu.dma_semaphore, #tpu.memory_space<semaphore_mem>>, %arg17: memref<!tpu.dma_semaphore, #tpu.memory_space<semaphore_mem>>, %arg18: memref<!tpu.dma_semaphore, #tpu.memory_space<semaphore_mem>>) attributes {dimension_semantics = [#tpu.dimension_semantics<core_parallel>, #tpu.dimension_semantics<subcore_parallel>], iteration_bounds = array<i64: 2, 16>, scalar_prefetch = 0 : i64, scratch_operands = 12 : i64, tpu.core_type = #tpu.core_type<sc_vector_subcore>, window_params = [{transform_indices = #map}, {transform_indices = #map1}, {transform_indices = #map1}, {transform_indices = #map}, {transform_indices = #map1}]} {
    %mul3A = arith.constant 2 : i32
    %mul3A_0 = arith.muli %arg1, %mul3A : i32
    %add3A = arith.addi %mul3A_0, %arg0 : i32
    %mul3A_1 = arith.constant 640 : i32
    %mul3A_2 = arith.muli %arg1, %mul3A_1 : i32
    %dma_start3A = arith.constant 0 : i32
    %dma_start3A_3 = tpu.memref_slice %arg7[%mul3A_2, %dma_start3A] : memref<10240x128xf32, #tpu.memory_space<vmem_shared>> -> memref<640x128xf32, #tpu.memory_space<vmem_shared>>
    tpu.enqueue_dma source(%arg5 : memref<640x128xf32, #tpu.memory_space<hbm>>) target(%dma_start3A_3 : memref<640x128xf32, #tpu.memory_space<vmem_shared>>) target_semaphore(%arg17 : memref<!tpu.dma_semaphore, #tpu.memory_space<semaphore_mem>>)
    %dma_start3A_4 = arith.constant 0 : i32
    %dma_start3A_5 = arith.constant 0 : i32
    %dma_start3A_6 = tpu.memref_slice %arg4[%add3A, %dma_start3A_4, %dma_start3A_5] : memref<32x100x100xi32, #tpu.memory_space<hbm>> -> memref<1x100x100xi32, #tpu.memory_space<hbm>>
    %dma_start3A_7 = tpu.memref_squeeze %dma_start3A_6 : memref<1x100x100xi32, #tpu.memory_space<hbm>> -> memref<100x100xi32, #tpu.memory_space<hbm>>
    %dma_start3A_8 = arith.constant 0 : i32
    %dma_start3A_9 = arith.constant 0 : i32
    %dma_start3A_10 = tpu.memref_slice %arg4[%add3A, %dma_start3A_8, %dma_start3A_9] : memref<32x100x100xi32, #tpu.memory_space<hbm>> -> memref<1x100x100xi32, #tpu.memory_space<hbm>>
    %dma_start3A_11 = tpu.memref_squeeze %dma_start3A_10 : memref<1x100x100xi32, #tpu.memory_space<hbm>> -> memref<100x100xi32, #tpu.memory_space<hbm>>
    tpu.enqueue_dma source(%dma_start3A_11 : memref<100x100xi32, #tpu.memory_space<hbm>>) target(%arg8 : memref<100x100xi32, #tpu.memory_space<vmem>>) target_semaphore(%arg18 : memref<!tpu.dma_semaphore, #tpu.memory_space<semaphore_mem>>)
    %dma_start3A_12 = arith.constant 0 : i32
    %dma_start3A_13 = arith.constant 0 : i32
    %dma_start3A_14 = tpu.memref_slice %arg3[%add3A, %dma_start3A_12, %dma_start3A_13] : memref<32x100x100xi32, #tpu.memory_space<hbm>> -> memref<1x1x100xi32, #tpu.memory_space<hbm>>
    %dma_start3A_15 = tpu.memref_squeeze %dma_start3A_14 : memref<1x1x100xi32, #tpu.memory_space<hbm>> -> memref<1x100xi32, #tpu.memory_space<hbm>>
    %dma_start3A_16 = arith.constant 0 : i32
    %dma_start3A_17 = arith.constant 0 : i32
    %dma_start3A_18 = tpu.memref_slice %arg3[%add3A, %dma_start3A_16, %dma_start3A_17] : memref<32x100x100xi32, #tpu.memory_space<hbm>> -> memref<1x1x100xi32, #tpu.memory_space<hbm>>
    %dma_start3A_19 = tpu.memref_squeeze %dma_start3A_18 : memref<1x1x100xi32, #tpu.memory_space<hbm>> -> memref<1x100xi32, #tpu.memory_space<hbm>>
    tpu.enqueue_dma source(%dma_start3A_19 : memref<1x100xi32, #tpu.memory_space<hbm>>) target(%arg9 : memref<1x100xi32, #tpu.memory_space<vmem>>) target_semaphore(%arg13 : memref<!tpu.dma_semaphore, #tpu.memory_space<semaphore_mem>>)
    %dma_start3A_20 = arith.constant 1 : i32
    %dma_start3A_21 = arith.constant 0 : i32
    %dma_start3A_22 = tpu.memref_slice %arg3[%add3A, %dma_start3A_20, %dma_start3A_21] : memref<32x100x100xi32, #tpu.memory_space<hbm>> -> memref<1x1x100xi32, #tpu.memory_space<hbm>>
    %dma_start3A_23 = tpu.memref_squeeze %dma_start3A_22 : memref<1x1x100xi32, #tpu.memory_space<hbm>> -> memref<1x100xi32, #tpu.memory_space<hbm>>
    %dma_start3A_24 = arith.constant 1 : i32
    %dma_start3A_25 = arith.constant 0 : i32
    %dma_start3A_26 = tpu.memref_slice %arg3[%add3A, %dma_start3A_24, %dma_start3A_25] : memref<32x100x100xi32, #tpu.memory_space<hbm>> -> memref<1x1x100xi32, #tpu.memory_space<hbm>>
    %dma_start3A_27 = tpu.memref_squeeze %dma_start3A_26 : memref<1x1x100xi32, #tpu.memory_space<hbm>> -> memref<1x100xi32, #tpu.memory_space<hbm>>
    tpu.enqueue_dma source(%dma_start3A_27 : memref<1x100xi32, #tpu.memory_space<hbm>>) target(%arg10 : memref<1x100xi32, #tpu.memory_space<vmem>>) target_semaphore(%arg14 : memref<!tpu.dma_semaphore, #tpu.memory_space<semaphore_mem>>)
    %dma_wait3A = arith.constant 0 : i32
    %dma_wait3A_28 = arith.constant 0 : i32
    %dma_wait3A_29 = tpu.memref_slice %arg3[%add3A, %dma_wait3A, %dma_wait3A_28] : memref<32x100x100xi32, #tpu.memory_space<hbm>> -> memref<1x1x100xi32, #tpu.memory_space<hbm>>
    %dma_wait3A_30 = tpu.memref_squeeze %dma_wait3A_29 : memref<1x1x100xi32, #tpu.memory_space<hbm>> -> memref<1x100xi32, #tpu.memory_space<hbm>>
    %dma_wait3A_31 = arith.constant 0 : i32
    %dma_wait3A_32 = arith.constant 0 : i32
    %dma_wait3A_33 = tpu.memref_slice %arg3[%add3A, %dma_wait3A_31, %dma_wait3A_32] : memref<32x100x100xi32, #tpu.memory_space<hbm>> -> memref<1x1x100xi32, #tpu.memory_space<hbm>>
    %dma_wait3A_34 = tpu.memref_squeeze %dma_wait3A_33 : memref<1x1x100xi32, #tpu.memory_space<hbm>> -> memref<1x100xi32, #tpu.memory_space<hbm>>
    tpu.wait_dma2 semaphore(%arg13 : memref<!tpu.dma_semaphore, #tpu.memory_space<semaphore_mem>>) src(%dma_wait3A_34 : memref<1x100xi32, #tpu.memory_space<hbm>>) dst(%arg9 : memref<1x100xi32, #tpu.memory_space<vmem>>)
    %dma_start3A_35 = arith.constant 0 : i32
    %dma_start3A_36 = arith.constant 0 : i32
    %dma_start3A_37 = tpu.memref_slice %arg9[%dma_start3A_35, %dma_start3A_36] : memref<1x100xi32, #tpu.memory_space<vmem>> -> memref<1x100xi32, #tpu.memory_space<vmem>>
    %dma_start3A_38 = tpu.memref_squeeze %dma_start3A_37 : memref<1x100xi32, #tpu.memory_space<vmem>> -> memref<100xi32, #tpu.memory_space<vmem>>
    %dma_start3A_39 = arith.constant 0 : i32
    %dma_start3A_40 = arith.constant 0 : i32
    %dma_start3A_41 = tpu.memref_slice %arg2[%dma_start3A_39, %dma_start3A_40] : memref<10000x128xf32, #tpu.memory_space<hbm>> -> memref<10000x128xf32, #tpu.memory_space<hbm>>
    tpu.enqueue_indirect_dma source(%dma_start3A_41 : memref<10000x128xf32, #tpu.memory_space<hbm>>) target(%arg11 : memref<100x128xf32, #tpu.memory_space<vmem>>) offsets(%dma_start3A_38 : memref<100xi32, #tpu.memory_space<vmem>>) semaphore(%arg15 : memref<!tpu.dma_semaphore, #tpu.memory_space<semaphore_mem>>)
    %mul3A_42 = arith.constant 640 : i32
    %mul3A_43 = arith.muli %arg1, %mul3A_42 : i32
    %dma_wait3A_44 = arith.constant 0 : i32
    %dma_wait3A_45 = tpu.memref_slice %arg7[%mul3A_43, %dma_wait3A_44] : memref<10240x128xf32, #tpu.memory_space<vmem_shared>> -> memref<640x128xf32, #tpu.memory_space<vmem_shared>>
    tpu.wait_dma2 semaphore(%arg17 : memref<!tpu.dma_semaphore, #tpu.memory_space<semaphore_mem>>) src(%arg5 : memref<640x128xf32, #tpu.memory_space<hbm>>) dst(%dma_wait3A_45 : memref<640x128xf32, #tpu.memory_space<vmem_shared>>)
    %dma_wait3A_46 = arith.constant 0 : i32
    %dma_wait3A_47 = arith.constant 0 : i32
    %dma_wait3A_48 = tpu.memref_slice %arg4[%add3A, %dma_wait3A_46, %dma_wait3A_47] : memref<32x100x100xi32, #tpu.memory_space<hbm>> -> memref<1x100x100xi32, #tpu.memory_space<hbm>>
    %dma_wait3A_49 = tpu.memref_squeeze %dma_wait3A_48 : memref<1x100x100xi32, #tpu.memory_space<hbm>> -> memref<100x100xi32, #tpu.memory_space<hbm>>
    %dma_wait3A_50 = arith.constant 0 : i32
    %dma_wait3A_51 = arith.constant 0 : i32
    %dma_wait3A_52 = tpu.memref_slice %arg4[%add3A, %dma_wait3A_50, %dma_wait3A_51] : memref<32x100x100xi32, #tpu.memory_space<hbm>> -> memref<1x100x100xi32, #tpu.memory_space<hbm>>
    %dma_wait3A_53 = tpu.memref_squeeze %dma_wait3A_52 : memref<1x100x100xi32, #tpu.memory_space<hbm>> -> memref<100x100xi32, #tpu.memory_space<hbm>>
    tpu.wait_dma2 semaphore(%arg18 : memref<!tpu.dma_semaphore, #tpu.memory_space<semaphore_mem>>) src(%dma_wait3A_53 : memref<100x100xi32, #tpu.memory_space<hbm>>) dst(%arg8 : memref<100x100xi32, #tpu.memory_space<vmem>>)
    %barrier3A = arith.constant 0 : index
    tpu.barrier barrier_id(%barrier3A)
    %scan3A = arith.constant 0 : i32
    %scan3A_54 = arith.constant 49 : i32
    %scan3A_55 = arith.addi %scan3A, %scan3A_54 : i32
    %scan3A_56 = arith.constant 1 : i32
    scf.for %scan3A_93 = %scan3A to %scan3A_55 step %scan3A_56  : i32 {
      %mul3A_94 = arith.constant 2 : i32
      %mul3A_95 = arith.muli %scan3A_93, %mul3A_94 : i32
      %add3A_96 = arith.constant 0 : i32
      %add3A_97 = arith.addi %add3A_96, %mul3A_95 : i32
      %dma_wait3A_98 = arith.constant 0 : i32
      %dma_wait3A_99 = arith.constant 0 : i32
      %dma_wait3A_100 = tpu.memref_slice %arg9[%dma_wait3A_98, %dma_wait3A_99] : memref<1x100xi32, #tpu.memory_space<vmem>> -> memref<1x100xi32, #tpu.memory_space<vmem>>
      %dma_wait3A_101 = tpu.memref_squeeze %dma_wait3A_100 : memref<1x100xi32, #tpu.memory_space<vmem>> -> memref<100xi32, #tpu.memory_space<vmem>>
      %dma_wait3A_102 = arith.constant 0 : i32
      %dma_wait3A_103 = arith.constant 0 : i32
      %dma_wait3A_104 = tpu.memref_slice %arg2[%dma_wait3A_102, %dma_wait3A_103] : memref<10000x128xf32, #tpu.memory_space<hbm>> -> memref<10000x128xf32, #tpu.memory_space<hbm>>
      tpu.wait_indirect_dma semaphore(%arg15 : memref<!tpu.dma_semaphore, #tpu.memory_space<semaphore_mem>>) src(%dma_wait3A_104 : memref<10000x128xf32, #tpu.memory_space<hbm>>) dst(%arg11 : memref<100x128xf32, #tpu.memory_space<vmem>>)
      %add3A_105 = arith.constant 2 : i32
      %add3A_106 = arith.addi %add3A_97, %add3A_105 : i32
      %dma_start3A_107 = arith.constant 0 : i32
      %dma_start3A_108 = tpu.memref_slice %arg3[%add3A, %add3A_106, %dma_start3A_107] : memref<32x100x100xi32, #tpu.memory_space<hbm>> -> memref<1x1x100xi32, #tpu.memory_space<hbm>>
      %dma_start3A_109 = tpu.memref_squeeze %dma_start3A_108 : memref<1x1x100xi32, #tpu.memory_space<hbm>> -> memref<1x100xi32, #tpu.memory_space<hbm>>
      %dma_start3A_110 = arith.constant 0 : i32
      %dma_start3A_111 = tpu.memref_slice %arg3[%add3A, %add3A_106, %dma_start3A_110] : memref<32x100x100xi32, #tpu.memory_space<hbm>> -> memref<1x1x100xi32, #tpu.memory_space<hbm>>
      %dma_start3A_112 = tpu.memref_squeeze %dma_start3A_111 : memref<1x1x100xi32, #tpu.memory_space<hbm>> -> memref<1x100xi32, #tpu.memory_space<hbm>>
      tpu.enqueue_dma source(%dma_start3A_112 : memref<1x100xi32, #tpu.memory_space<hbm>>) target(%arg9 : memref<1x100xi32, #tpu.memory_space<vmem>>) target_semaphore(%arg13 : memref<!tpu.dma_semaphore, #tpu.memory_space<semaphore_mem>>)
      %add3A_113 = arith.constant 1 : i32
      %add3A_114 = arith.addi %add3A_97, %add3A_113 : i32
      %dma_wait3A_115 = arith.constant 0 : i32
      %dma_wait3A_116 = tpu.memref_slice %arg3[%add3A, %add3A_114, %dma_wait3A_115] : memref<32x100x100xi32, #tpu.memory_space<hbm>> -> memref<1x1x100xi32, #tpu.memory_space<hbm>>
      %dma_wait3A_117 = tpu.memref_squeeze %dma_wait3A_116 : memref<1x1x100xi32, #tpu.memory_space<hbm>> -> memref<1x100xi32, #tpu.memory_space<hbm>>
      %dma_wait3A_118 = arith.constant 0 : i32
      %dma_wait3A_119 = tpu.memref_slice %arg3[%add3A, %add3A_114, %dma_wait3A_118] : memref<32x100x100xi32, #tpu.memory_space<hbm>> -> memref<1x1x100xi32, #tpu.memory_space<hbm>>
      %dma_wait3A_120 = tpu.memref_squeeze %dma_wait3A_119 : memref<1x1x100xi32, #tpu.memory_space<hbm>> -> memref<1x100xi32, #tpu.memory_space<hbm>>
      tpu.wait_dma2 semaphore(%arg14 : memref<!tpu.dma_semaphore, #tpu.memory_space<semaphore_mem>>) src(%dma_wait3A_120 : memref<1x100xi32, #tpu.memory_space<hbm>>) dst(%arg10 : memref<1x100xi32, #tpu.memory_space<vmem>>)
      %dma_start3A_121 = arith.constant 0 : i32
      %dma_start3A_122 = arith.constant 0 : i32
      %dma_start3A_123 = tpu.memref_slice %arg10[%dma_start3A_121, %dma_start3A_122] : memref<1x100xi32, #tpu.memory_space<vmem>> -> memref<1x100xi32, #tpu.memory_space<vmem>>
      %dma_start3A_124 = tpu.memref_squeeze %dma_start3A_123 : memref<1x100xi32, #tpu.memory_space<vmem>> -> memref<100xi32, #tpu.memory_space<vmem>>
      %dma_start3A_125 = arith.constant 0 : i32
      %dma_start3A_126 = arith.constant 0 : i32
      %dma_start3A_127 = tpu.memref_slice %arg2[%dma_start3A_125, %dma_start3A_126] : memref<10000x128xf32, #tpu.memory_space<hbm>> -> memref<10000x128xf32, #tpu.memory_space<hbm>>
      tpu.enqueue_indirect_dma source(%dma_start3A_127 : memref<10000x128xf32, #tpu.memory_space<hbm>>) target(%arg12 : memref<100x128xf32, #tpu.memory_space<vmem>>) offsets(%dma_start3A_124 : memref<100xi32, #tpu.memory_space<vmem>>) semaphore(%arg16 : memref<!tpu.dma_semaphore, #tpu.memory_space<semaphore_mem>>)
      "tpu.region"() ({
        %run_scoped3A_160 = tpu.sem_alloc : memref<!tpu.dma_semaphore, #tpu.memory_space<semaphore_mem>>
        %dma_start3A_161 = arith.constant 0 : i32
        %dma_start3A_162 = tpu.memref_slice %arg8[%add3A_97, %dma_start3A_161] : memref<100x100xi32, #tpu.memory_space<vmem>> -> memref<1x100xi32, #tpu.memory_space<vmem>>
        %dma_start3A_163 = tpu.memref_squeeze %dma_start3A_162 : memref<1x100xi32, #tpu.memory_space<vmem>> -> memref<100xi32, #tpu.memory_space<vmem>>
        %dma_start3A_164 = arith.constant 0 : i32
        %dma_start3A_165 = arith.constant 0 : i32
        %dma_start3A_166 = tpu.memref_slice %arg7[%dma_start3A_164, %dma_start3A_165] : memref<10240x128xf32, #tpu.memory_space<vmem_shared>> -> memref<10240x128xf32, #tpu.memory_space<vmem_shared>>
        tpu.enqueue_indirect_dma source(%arg11 : memref<100x128xf32, #tpu.memory_space<vmem>>) target(%dma_start3A_166 : memref<10240x128xf32, #tpu.memory_space<vmem_shared>>) offsets(%dma_start3A_163 : memref<100xi32, #tpu.memory_space<vmem>>) semaphore(%run_scoped3A_160 : memref<!tpu.dma_semaphore, #tpu.memory_space<semaphore_mem>>) {add = true}
        %dma_wait3A_167 = arith.constant 0 : i32
        %dma_wait3A_168 = tpu.memref_slice %arg8[%add3A_97, %dma_wait3A_167] : memref<100x100xi32, #tpu.memory_space<vmem>> -> memref<1x100xi32, #tpu.memory_space<vmem>>
        %dma_wait3A_169 = tpu.memref_squeeze %dma_wait3A_168 : memref<1x100xi32, #tpu.memory_space<vmem>> -> memref<100xi32, #tpu.memory_space<vmem>>
        %dma_wait3A_170 = arith.constant 0 : i32
        %dma_wait3A_171 = arith.constant 0 : i32
        %dma_wait3A_172 = tpu.memref_slice %arg7[%dma_wait3A_170, %dma_wait3A_171] : memref<10240x128xf32, #tpu.memory_space<vmem_shared>> -> memref<10240x128xf32, #tpu.memory_space<vmem_shared>>
        tpu.wait_indirect_dma semaphore(%run_scoped3A_160 : memref<!tpu.dma_semaphore, #tpu.memory_space<semaphore_mem>>) src(%arg11 : memref<100x128xf32, #tpu.memory_space<vmem>>) dst(%dma_wait3A_172 : memref<10240x128xf32, #tpu.memory_space<vmem_shared>>)
        tpu.yield
      }) : () -> ()
      %dma_wait3A_128 = arith.constant 0 : i32
      %dma_wait3A_129 = arith.constant 0 : i32
      %dma_wait3A_130 = tpu.memref_slice %arg10[%dma_wait3A_128, %dma_wait3A_129] : memref<1x100xi32, #tpu.memory_space<vmem>> -> memref<1x100xi32, #tpu.memory_space<vmem>>
      %dma_wait3A_131 = tpu.memref_squeeze %dma_wait3A_130 : memref<1x100xi32, #tpu.memory_space<vmem>> -> memref<100xi32, #tpu.memory_space<vmem>>
      %dma_wait3A_132 = arith.constant 0 : i32
      %dma_wait3A_133 = arith.constant 0 : i32
      %dma_wait3A_134 = tpu.memref_slice %arg2[%dma_wait3A_132, %dma_wait3A_133] : memref<10000x128xf32, #tpu.memory_space<hbm>> -> memref<10000x128xf32, #tpu.memory_space<hbm>>
      tpu.wait_indirect_dma semaphore(%arg16 : memref<!tpu.dma_semaphore, #tpu.memory_space<semaphore_mem>>) src(%dma_wait3A_134 : memref<10000x128xf32, #tpu.memory_space<hbm>>) dst(%arg12 : memref<100x128xf32, #tpu.memory_space<vmem>>)
      %add3A_135 = arith.constant 3 : i32
      %add3A_136 = arith.addi %add3A_97, %add3A_135 : i32
      %dma_start3A_137 = arith.constant 0 : i32
      %dma_start3A_138 = tpu.memref_slice %arg3[%add3A, %add3A_136, %dma_start3A_137] : memref<32x100x100xi32, #tpu.memory_space<hbm>> -> memref<1x1x100xi32, #tpu.memory_space<hbm>>
      %dma_start3A_139 = tpu.memref_squeeze %dma_start3A_138 : memref<1x1x100xi32, #tpu.memory_space<hbm>> -> memref<1x100xi32, #tpu.memory_space<hbm>>
      %dma_start3A_140 = arith.constant 0 : i32
      %dma_start3A_141 = tpu.memref_slice %arg3[%add3A, %add3A_136, %dma_start3A_140] : memref<32x100x100xi32, #tpu.memory_space<hbm>> -> memref<1x1x100xi32, #tpu.memory_space<hbm>>
      %dma_start3A_142 = tpu.memref_squeeze %dma_start3A_141 : memref<1x1x100xi32, #tpu.memory_space<hbm>> -> memref<1x100xi32, #tpu.memory_space<hbm>>
      tpu.enqueue_dma source(%dma_start3A_142 : memref<1x100xi32, #tpu.memory_space<hbm>>) target(%arg10 : memref<1x100xi32, #tpu.memory_space<vmem>>) target_semaphore(%arg14 : memref<!tpu.dma_semaphore, #tpu.memory_space<semaphore_mem>>)
      %add3A_143 = arith.constant 2 : i32
      %add3A_144 = arith.addi %add3A_97, %add3A_143 : i32
      %dma_wait3A_145 = arith.constant 0 : i32
      %dma_wait3A_146 = tpu.memref_slice %arg3[%add3A, %add3A_144, %dma_wait3A_145] : memref<32x100x100xi32, #tpu.memory_space<hbm>> -> memref<1x1x100xi32, #tpu.memory_space<hbm>>
      %dma_wait3A_147 = tpu.memref_squeeze %dma_wait3A_146 : memref<1x1x100xi32, #tpu.memory_space<hbm>> -> memref<1x100xi32, #tpu.memory_space<hbm>>
      %dma_wait3A_148 = arith.constant 0 : i32
      %dma_wait3A_149 = tpu.memref_slice %arg3[%add3A, %add3A_144, %dma_wait3A_148] : memref<32x100x100xi32, #tpu.memory_space<hbm>> -> memref<1x1x100xi32, #tpu.memory_space<hbm>>
      %dma_wait3A_150 = tpu.memref_squeeze %dma_wait3A_149 : memref<1x1x100xi32, #tpu.memory_space<hbm>> -> memref<1x100xi32, #tpu.memory_space<hbm>>
      tpu.wait_dma2 semaphore(%arg13 : memref<!tpu.dma_semaphore, #tpu.memory_space<semaphore_mem>>) src(%dma_wait3A_150 : memref<1x100xi32, #tpu.memory_space<hbm>>) dst(%arg9 : memref<1x100xi32, #tpu.memory_space<vmem>>)
      %dma_start3A_151 = arith.constant 0 : i32
      %dma_start3A_152 = arith.constant 0 : i32
      %dma_start3A_153 = tpu.memref_slice %arg9[%dma_start3A_151, %dma_start3A_152] : memref<1x100xi32, #tpu.memory_space<vmem>> -> memref<1x100xi32, #tpu.memory_space<vmem>>
      %dma_start3A_154 = tpu.memref_squeeze %dma_start3A_153 : memref<1x100xi32, #tpu.memory_space<vmem>> -> memref<100xi32, #tpu.memory_space<vmem>>
      %dma_start3A_155 = arith.constant 0 : i32
      %dma_start3A_156 = arith.constant 0 : i32
      %dma_start3A_157 = tpu.memref_slice %arg2[%dma_start3A_155, %dma_start3A_156] : memref<10000x128xf32, #tpu.memory_space<hbm>> -> memref<10000x128xf32, #tpu.memory_space<hbm>>
      tpu.enqueue_indirect_dma source(%dma_start3A_157 : memref<10000x128xf32, #tpu.memory_space<hbm>>) target(%arg11 : memref<100x128xf32, #tpu.memory_space<vmem>>) offsets(%dma_start3A_154 : memref<100xi32, #tpu.memory_space<vmem>>) semaphore(%arg15 : memref<!tpu.dma_semaphore, #tpu.memory_space<semaphore_mem>>)
      %add3A_158 = arith.constant 1 : i32
      %add3A_159 = arith.addi %add3A_97, %add3A_158 : i32
      "tpu.region"() ({
        %run_scoped3A_160 = tpu.sem_alloc : memref<!tpu.dma_semaphore, #tpu.memory_space<semaphore_mem>>
        %dma_start3A_161 = arith.constant 0 : i32
        %dma_start3A_162 = tpu.memref_slice %arg8[%add3A_159, %dma_start3A_161] : memref<100x100xi32, #tpu.memory_space<vmem>> -> memref<1x100xi32, #tpu.memory_space<vmem>>
        %dma_start3A_163 = tpu.memref_squeeze %dma_start3A_162 : memref<1x100xi32, #tpu.memory_space<vmem>> -> memref<100xi32, #tpu.memory_space<vmem>>
        %dma_start3A_164 = arith.constant 0 : i32
        %dma_start3A_165 = arith.constant 0 : i32
        %dma_start3A_166 = tpu.memref_slice %arg7[%dma_start3A_164, %dma_start3A_165] : memref<10240x128xf32, #tpu.memory_space<vmem_shared>> -> memref<10240x128xf32, #tpu.memory_space<vmem_shared>>
        tpu.enqueue_indirect_dma source(%arg12 : memref<100x128xf32, #tpu.memory_space<vmem>>) target(%dma_start3A_166 : memref<10240x128xf32, #tpu.memory_space<vmem_shared>>) offsets(%dma_start3A_163 : memref<100xi32, #tpu.memory_space<vmem>>) semaphore(%run_scoped3A_160 : memref<!tpu.dma_semaphore, #tpu.memory_space<semaphore_mem>>) {add = true}
        %dma_wait3A_167 = arith.constant 0 : i32
        %dma_wait3A_168 = tpu.memref_slice %arg8[%add3A_159, %dma_wait3A_167] : memref<100x100xi32, #tpu.memory_space<vmem>> -> memref<1x100xi32, #tpu.memory_space<vmem>>
        %dma_wait3A_169 = tpu.memref_squeeze %dma_wait3A_168 : memref<1x100xi32, #tpu.memory_space<vmem>> -> memref<100xi32, #tpu.memory_space<vmem>>
        %dma_wait3A_170 = arith.constant 0 : i32
        %dma_wait3A_171 = arith.constant 0 : i32
        %dma_wait3A_172 = tpu.memref_slice %arg7[%dma_wait3A_170, %dma_wait3A_171] : memref<10240x128xf32, #tpu.memory_space<vmem_shared>> -> memref<10240x128xf32, #tpu.memory_space<vmem_shared>>
        tpu.wait_indirect_dma semaphore(%run_scoped3A_160 : memref<!tpu.dma_semaphore, #tpu.memory_space<semaphore_mem>>) src(%arg12 : memref<100x128xf32, #tpu.memory_space<vmem>>) dst(%dma_wait3A_172 : memref<10240x128xf32, #tpu.memory_space<vmem_shared>>)
        tpu.yield
      }) : () -> ()
    }
    %scan3A_57 = arith.constant 49 : i32
    %dma_wait3A_58 = arith.constant 0 : i32
    %dma_wait3A_59 = arith.constant 0 : i32
    %dma_wait3A_60 = tpu.memref_slice %arg9[%dma_wait3A_58, %dma_wait3A_59] : memref<1x100xi32, #tpu.memory_space<vmem>> -> memref<1x100xi32, #tpu.memory_space<vmem>>
    %dma_wait3A_61 = tpu.memref_squeeze %dma_wait3A_60 : memref<1x100xi32, #tpu.memory_space<vmem>> -> memref<100xi32, #tpu.memory_space<vmem>>
    %dma_wait3A_62 = arith.constant 0 : i32
    %dma_wait3A_63 = arith.constant 0 : i32
    %dma_wait3A_64 = tpu.memref_slice %arg2[%dma_wait3A_62, %dma_wait3A_63] : memref<10000x128xf32, #tpu.memory_space<hbm>> -> memref<10000x128xf32, #tpu.memory_space<hbm>>
    tpu.wait_indirect_dma semaphore(%arg15 : memref<!tpu.dma_semaphore, #tpu.memory_space<semaphore_mem>>) src(%dma_wait3A_64 : memref<10000x128xf32, #tpu.memory_space<hbm>>) dst(%arg11 : memref<100x128xf32, #tpu.memory_space<vmem>>)
    %dma_wait3A_65 = arith.constant 99 : i32
    %dma_wait3A_66 = arith.constant 0 : i32
    %dma_wait3A_67 = tpu.memref_slice %arg3[%add3A, %dma_wait3A_65, %dma_wait3A_66] : memref<32x100x100xi32, #tpu.memory_space<hbm>> -> memref<1x1x100xi32, #tpu.memory_space<hbm>>
    %dma_wait3A_68 = tpu.memref_squeeze %dma_wait3A_67 : memref<1x1x100xi32, #tpu.memory_space<hbm>> -> memref<1x100xi32, #tpu.memory_space<hbm>>
    %dma_wait3A_69 = arith.constant 99 : i32
    %dma_wait3A_70 = arith.constant 0 : i32
    %dma_wait3A_71 = tpu.memref_slice %arg3[%add3A, %dma_wait3A_69, %dma_wait3A_70] : memref<32x100x100xi32, #tpu.memory_space<hbm>> -> memref<1x1x100xi32, #tpu.memory_space<hbm>>
    %dma_wait3A_72 = tpu.memref_squeeze %dma_wait3A_71 : memref<1x1x100xi32, #tpu.memory_space<hbm>> -> memref<1x100xi32, #tpu.memory_space<hbm>>
    tpu.wait_dma2 semaphore(%arg14 : memref<!tpu.dma_semaphore, #tpu.memory_space<semaphore_mem>>) src(%dma_wait3A_72 : memref<1x100xi32, #tpu.memory_space<hbm>>) dst(%arg10 : memref<1x100xi32, #tpu.memory_space<vmem>>)
    %dma_start3A_73 = arith.constant 0 : i32
    %dma_start3A_74 = arith.constant 0 : i32
    %dma_start3A_75 = tpu.memref_slice %arg10[%dma_start3A_73, %dma_start3A_74] : memref<1x100xi32, #tpu.memory_space<vmem>> -> memref<1x100xi32, #tpu.memory_space<vmem>>
    %dma_start3A_76 = tpu.memref_squeeze %dma_start3A_75 : memref<1x100xi32, #tpu.memory_space<vmem>> -> memref<100xi32, #tpu.memory_space<vmem>>
    %dma_start3A_77 = arith.constant 0 : i32
    %dma_start3A_78 = arith.constant 0 : i32
    %dma_start3A_79 = tpu.memref_slice %arg2[%dma_start3A_77, %dma_start3A_78] : memref<10000x128xf32, #tpu.memory_space<hbm>> -> memref<10000x128xf32, #tpu.memory_space<hbm>>
    tpu.enqueue_indirect_dma source(%dma_start3A_79 : memref<10000x128xf32, #tpu.memory_space<hbm>>) target(%arg12 : memref<100x128xf32, #tpu.memory_space<vmem>>) offsets(%dma_start3A_76 : memref<100xi32, #tpu.memory_space<vmem>>) semaphore(%arg16 : memref<!tpu.dma_semaphore, #tpu.memory_space<semaphore_mem>>)
    %run_scoped3A = arith.constant 98 : i32
    "tpu.region"() ({
      %run_scoped3A_93 = tpu.sem_alloc : memref<!tpu.dma_semaphore, #tpu.memory_space<semaphore_mem>>
      %dma_start3A_94 = arith.constant 0 : i32
      %dma_start3A_95 = tpu.memref_slice %arg8[%run_scoped3A, %dma_start3A_94] : memref<100x100xi32, #tpu.memory_space<vmem>> -> memref<1x100xi32, #tpu.memory_space<vmem>>
      %dma_start3A_96 = tpu.memref_squeeze %dma_start3A_95 : memref<1x100xi32, #tpu.memory_space<vmem>> -> memref<100xi32, #tpu.memory_space<vmem>>
      %dma_start3A_97 = arith.constant 0 : i32
      %dma_start3A_98 = arith.constant 0 : i32
      %dma_start3A_99 = tpu.memref_slice %arg7[%dma_start3A_97, %dma_start3A_98] : memref<10240x128xf32, #tpu.memory_space<vmem_shared>> -> memref<10240x128xf32, #tpu.memory_space<vmem_shared>>
      tpu.enqueue_indirect_dma source(%arg11 : memref<100x128xf32, #tpu.memory_space<vmem>>) target(%dma_start3A_99 : memref<10240x128xf32, #tpu.memory_space<vmem_shared>>) offsets(%dma_start3A_96 : memref<100xi32, #tpu.memory_space<vmem>>) semaphore(%run_scoped3A_93 : memref<!tpu.dma_semaphore, #tpu.memory_space<semaphore_mem>>) {add = true}
      %dma_wait3A_100 = arith.constant 0 : i32
      %dma_wait3A_101 = tpu.memref_slice %arg8[%run_scoped3A, %dma_wait3A_100] : memref<100x100xi32, #tpu.memory_space<vmem>> -> memref<1x100xi32, #tpu.memory_space<vmem>>
      %dma_wait3A_102 = tpu.memref_squeeze %dma_wait3A_101 : memref<1x100xi32, #tpu.memory_space<vmem>> -> memref<100xi32, #tpu.memory_space<vmem>>
      %dma_wait3A_103 = arith.constant 0 : i32
      %dma_wait3A_104 = arith.constant 0 : i32
      %dma_wait3A_105 = tpu.memref_slice %arg7[%dma_wait3A_103, %dma_wait3A_104] : memref<10240x128xf32, #tpu.memory_space<vmem_shared>> -> memref<10240x128xf32, #tpu.memory_space<vmem_shared>>
      tpu.wait_indirect_dma semaphore(%run_scoped3A_93 : memref<!tpu.dma_semaphore, #tpu.memory_space<semaphore_mem>>) src(%arg11 : memref<100x128xf32, #tpu.memory_space<vmem>>) dst(%dma_wait3A_105 : memref<10240x128xf32, #tpu.memory_space<vmem_shared>>)
      tpu.yield
    }) : () -> ()
    %dma_wait3A_80 = arith.constant 0 : i32
    %dma_wait3A_81 = arith.constant 0 : i32
    %dma_wait3A_82 = tpu.memref_slice %arg10[%dma_wait3A_80, %dma_wait3A_81] : memref<1x100xi32, #tpu.memory_space<vmem>> -> memref<1x100xi32, #tpu.memory_space<vmem>>
    %dma_wait3A_83 = tpu.memref_squeeze %dma_wait3A_82 : memref<1x100xi32, #tpu.memory_space<vmem>> -> memref<100xi32, #tpu.memory_space<vmem>>
    %dma_wait3A_84 = arith.constant 0 : i32
    %dma_wait3A_85 = arith.constant 0 : i32
    %dma_wait3A_86 = tpu.memref_slice %arg2[%dma_wait3A_84, %dma_wait3A_85] : memref<10000x128xf32, #tpu.memory_space<hbm>> -> memref<10000x128xf32, #tpu.memory_space<hbm>>
    tpu.wait_indirect_dma semaphore(%arg16 : memref<!tpu.dma_semaphore, #tpu.memory_space<semaphore_mem>>) src(%dma_wait3A_86 : memref<10000x128xf32, #tpu.memory_space<hbm>>) dst(%arg12 : memref<100x128xf32, #tpu.memory_space<vmem>>)
    %run_scoped3A_87 = arith.constant 99 : i32
    "tpu.region"() ({
      %run_scoped3A_93 = tpu.sem_alloc : memref<!tpu.dma_semaphore, #tpu.memory_space<semaphore_mem>>
      %dma_start3A_94 = arith.constant 0 : i32
      %dma_start3A_95 = tpu.memref_slice %arg8[%run_scoped3A_87, %dma_start3A_94] : memref<100x100xi32, #tpu.memory_space<vmem>> -> memref<1x100xi32, #tpu.memory_space<vmem>>
      %dma_start3A_96 = tpu.memref_squeeze %dma_start3A_95 : memref<1x100xi32, #tpu.memory_space<vmem>> -> memref<100xi32, #tpu.memory_space<vmem>>
      %dma_start3A_97 = arith.constant 0 : i32
      %dma_start3A_98 = arith.constant 0 : i32
      %dma_start3A_99 = tpu.memref_slice %arg7[%dma_start3A_97, %dma_start3A_98] : memref<10240x128xf32, #tpu.memory_space<vmem_shared>> -> memref<10240x128xf32, #tpu.memory_space<vmem_shared>>
      tpu.enqueue_indirect_dma source(%arg12 : memref<100x128xf32, #tpu.memory_space<vmem>>) target(%dma_start3A_99 : memref<10240x128xf32, #tpu.memory_space<vmem_shared>>) offsets(%dma_start3A_96 : memref<100xi32, #tpu.memory_space<vmem>>) semaphore(%run_scoped3A_93 : memref<!tpu.dma_semaphore, #tpu.memory_space<semaphore_mem>>) {add = true}
      %dma_wait3A_100 = arith.constant 0 : i32
      %dma_wait3A_101 = tpu.memref_slice %arg8[%run_scoped3A_87, %dma_wait3A_100] : memref<100x100xi32, #tpu.memory_space<vmem>> -> memref<1x100xi32, #tpu.memory_space<vmem>>
      %dma_wait3A_102 = tpu.memref_squeeze %dma_wait3A_101 : memref<1x100xi32, #tpu.memory_space<vmem>> -> memref<100xi32, #tpu.memory_space<vmem>>
      %dma_wait3A_103 = arith.constant 0 : i32
      %dma_wait3A_104 = arith.constant 0 : i32
      %dma_wait3A_105 = tpu.memref_slice %arg7[%dma_wait3A_103, %dma_wait3A_104] : memref<10240x128xf32, #tpu.memory_space<vmem_shared>> -> memref<10240x128xf32, #tpu.memory_space<vmem_shared>>
      tpu.wait_indirect_dma semaphore(%run_scoped3A_93 : memref<!tpu.dma_semaphore, #tpu.memory_space<semaphore_mem>>) src(%arg12 : memref<100x128xf32, #tpu.memory_space<vmem>>) dst(%dma_wait3A_105 : memref<10240x128xf32, #tpu.memory_space<vmem_shared>>)
      tpu.yield
    }) : () -> ()
    %barrier3A_88 = arith.constant 0 : index
    tpu.barrier barrier_id(%barrier3A_88)
    %mul3A_89 = arith.constant 640 : i32
    %mul3A_90 = arith.muli %arg1, %mul3A_89 : i32
    %mul3A_91 = arith.constant 640 : i32
    %mul3A_92 = arith.muli %arg1, %mul3A_91 : i32
    "tpu.region"() ({
      %run_scoped3A_93 = tpu.sem_alloc : memref<!tpu.dma_semaphore, #tpu.memory_space<semaphore_mem>>
      %dma_start3A_94 = arith.constant 0 : i32
      %dma_start3A_95 = tpu.memref_slice %arg6[%arg0, %mul3A_92, %dma_start3A_94] : memref<2x10240x128xf32, #tpu.memory_space<hbm>> -> memref<1x640x128xf32, #tpu.memory_space<hbm>>
      %dma_start3A_96 = tpu.memref_squeeze %dma_start3A_95 : memref<1x640x128xf32, #tpu.memory_space<hbm>> -> memref<640x128xf32, #tpu.memory_space<hbm>>
      %dma_start3A_97 = arith.constant 0 : i32
      %dma_start3A_98 = tpu.memref_slice %arg7[%mul3A_90, %dma_start3A_97] : memref<10240x128xf32, #tpu.memory_space<vmem_shared>> -> memref<640x128xf32, #tpu.memory_space<vmem_shared>>
      tpu.enqueue_dma source(%dma_start3A_98 : memref<640x128xf32, #tpu.memory_space<vmem_shared>>) target(%dma_start3A_96 : memref<640x128xf32, #tpu.memory_space<hbm>>) target_semaphore(%run_scoped3A_93 : memref<!tpu.dma_semaphore, #tpu.memory_space<semaphore_mem>>)
      %dma_wait3A_99 = arith.constant 0 : i32
      %dma_wait3A_100 = tpu.memref_slice %arg6[%arg0, %mul3A_92, %dma_wait3A_99] : memref<2x10240x128xf32, #tpu.memory_space<hbm>> -> memref<1x640x128xf32, #tpu.memory_space<hbm>>
      %dma_wait3A_101 = tpu.memref_squeeze %dma_wait3A_100 : memref<1x640x128xf32, #tpu.memory_space<hbm>> -> memref<640x128xf32, #tpu.memory_space<hbm>>
      %dma_wait3A_102 = arith.constant 0 : i32
      %dma_wait3A_103 = tpu.memref_slice %arg7[%mul3A_90, %dma_wait3A_102] : memref<10240x128xf32, #tpu.memory_space<vmem_shared>> -> memref<640x128xf32, #tpu.memory_space<vmem_shared>>
      tpu.wait_dma2 semaphore(%run_scoped3A_93 : memref<!tpu.dma_semaphore, #tpu.memory_space<semaphore_mem>>) src(%dma_wait3A_103 : memref<640x128xf32, #tpu.memory_space<vmem_shared>>) dst(%dma_wait3A_101 : memref<640x128xf32, #tpu.memory_space<hbm>>)
      tpu.yield
    }) : () -> ()
    return
  }
}

#map = affine_map<(d0, d1) -> (0, 0, 0)>
#map1 = affine_map<(d0, d1) -> (0)>
#map2 = affine_map<(d0, d1) -> (0, 0)>
module attributes {stable_mosaic.version = 14 : i64} {
  func.func @_deg_body(%arg0: i32, %arg1: i32, %arg2: memref<32x100x100xi32, #tpu.memory_space<hbm>>, %arg3: memref<640xf32, #tpu.memory_space<hbm>>, %arg4: memref<128xf32, #tpu.memory_space<hbm>>, %arg5: memref<2x10240xf32, #tpu.memory_space<hbm>>, %arg6: memref<10240xf32, #tpu.memory_space<vmem_shared>>, %arg7: memref<100x100xi32, #tpu.memory_space<vmem>>, %arg8: memref<128xf32, #tpu.memory_space<vmem>>, %arg9: memref<!tpu.dma_semaphore, #tpu.memory_space<semaphore_mem>>) attributes {dimension_semantics = [#tpu.dimension_semantics<core_parallel>, #tpu.dimension_semantics<subcore_parallel>], iteration_bounds = array<i64: 2, 16>, scalar_prefetch = 0 : i64, scratch_operands = 4 : i64, tpu.core_type = #tpu.core_type<sc_vector_subcore>, window_params = [{transform_indices = #map}, {transform_indices = #map1}, {transform_indices = #map1}, {transform_indices = #map2}]} {
    %mul3A = arith.constant 2 : i32
    %mul3A_0 = arith.muli %arg1, %mul3A : i32
    %add3A = arith.addi %mul3A_0, %arg0 : i32
    %mul3A_1 = arith.constant 640 : i32
    %mul3A_2 = arith.muli %arg1, %mul3A_1 : i32
    "tpu.region"() ({
      %run_scoped3A = tpu.sem_alloc : memref<!tpu.dma_semaphore, #tpu.memory_space<semaphore_mem>>
      %dma_start3A = tpu.memref_slice %arg6[%mul3A_2] : memref<10240xf32, #tpu.memory_space<vmem_shared>> -> memref<640xf32, #tpu.memory_space<vmem_shared>>
      tpu.enqueue_dma source(%arg3 : memref<640xf32, #tpu.memory_space<hbm>>) target(%dma_start3A : memref<640xf32, #tpu.memory_space<vmem_shared>>) target_semaphore(%run_scoped3A : memref<!tpu.dma_semaphore, #tpu.memory_space<semaphore_mem>>)
      %dma_wait3A = tpu.memref_slice %arg6[%mul3A_2] : memref<10240xf32, #tpu.memory_space<vmem_shared>> -> memref<640xf32, #tpu.memory_space<vmem_shared>>
      tpu.wait_dma2 semaphore(%run_scoped3A : memref<!tpu.dma_semaphore, #tpu.memory_space<semaphore_mem>>) src(%arg3 : memref<640xf32, #tpu.memory_space<hbm>>) dst(%dma_wait3A : memref<640xf32, #tpu.memory_space<vmem_shared>>)
      tpu.yield
    }) : () -> ()
    "tpu.region"() ({
      %run_scoped3A = tpu.sem_alloc : memref<!tpu.dma_semaphore, #tpu.memory_space<semaphore_mem>>
      tpu.enqueue_dma source(%arg4 : memref<128xf32, #tpu.memory_space<hbm>>) target(%arg8 : memref<128xf32, #tpu.memory_space<vmem>>) target_semaphore(%run_scoped3A : memref<!tpu.dma_semaphore, #tpu.memory_space<semaphore_mem>>)
      tpu.wait_dma2 semaphore(%run_scoped3A : memref<!tpu.dma_semaphore, #tpu.memory_space<semaphore_mem>>) src(%arg4 : memref<128xf32, #tpu.memory_space<hbm>>) dst(%arg8 : memref<128xf32, #tpu.memory_space<vmem>>)
      tpu.yield
    }) : () -> ()
    "tpu.region"() ({
      %run_scoped3A = tpu.sem_alloc : memref<!tpu.dma_semaphore, #tpu.memory_space<semaphore_mem>>
      %dma_start3A = arith.constant 0 : i32
      %dma_start3A_12 = arith.constant 0 : i32
      %dma_start3A_13 = tpu.memref_slice %arg2[%add3A, %dma_start3A, %dma_start3A_12] : memref<32x100x100xi32, #tpu.memory_space<hbm>> -> memref<1x100x100xi32, #tpu.memory_space<hbm>>
      %dma_start3A_14 = tpu.memref_squeeze %dma_start3A_13 : memref<1x100x100xi32, #tpu.memory_space<hbm>> -> memref<100x100xi32, #tpu.memory_space<hbm>>
      %dma_start3A_15 = arith.constant 0 : i32
      %dma_start3A_16 = arith.constant 0 : i32
      %dma_start3A_17 = tpu.memref_slice %arg2[%add3A, %dma_start3A_15, %dma_start3A_16] : memref<32x100x100xi32, #tpu.memory_space<hbm>> -> memref<1x100x100xi32, #tpu.memory_space<hbm>>
      %dma_start3A_18 = tpu.memref_squeeze %dma_start3A_17 : memref<1x100x100xi32, #tpu.memory_space<hbm>> -> memref<100x100xi32, #tpu.memory_space<hbm>>
      tpu.enqueue_dma source(%dma_start3A_18 : memref<100x100xi32, #tpu.memory_space<hbm>>) target(%arg7 : memref<100x100xi32, #tpu.memory_space<vmem>>) target_semaphore(%run_scoped3A : memref<!tpu.dma_semaphore, #tpu.memory_space<semaphore_mem>>)
      %dma_wait3A = arith.constant 0 : i32
      %dma_wait3A_19 = arith.constant 0 : i32
      %dma_wait3A_20 = tpu.memref_slice %arg2[%add3A, %dma_wait3A, %dma_wait3A_19] : memref<32x100x100xi32, #tpu.memory_space<hbm>> -> memref<1x100x100xi32, #tpu.memory_space<hbm>>
      %dma_wait3A_21 = tpu.memref_squeeze %dma_wait3A_20 : memref<1x100x100xi32, #tpu.memory_space<hbm>> -> memref<100x100xi32, #tpu.memory_space<hbm>>
      %dma_wait3A_22 = arith.constant 0 : i32
      %dma_wait3A_23 = arith.constant 0 : i32
      %dma_wait3A_24 = tpu.memref_slice %arg2[%add3A, %dma_wait3A_22, %dma_wait3A_23] : memref<32x100x100xi32, #tpu.memory_space<hbm>> -> memref<1x100x100xi32, #tpu.memory_space<hbm>>
      %dma_wait3A_25 = tpu.memref_squeeze %dma_wait3A_24 : memref<1x100x100xi32, #tpu.memory_space<hbm>> -> memref<100x100xi32, #tpu.memory_space<hbm>>
      tpu.wait_dma2 semaphore(%run_scoped3A : memref<!tpu.dma_semaphore, #tpu.memory_space<semaphore_mem>>) src(%dma_wait3A_25 : memref<100x100xi32, #tpu.memory_space<hbm>>) dst(%arg7 : memref<100x100xi32, #tpu.memory_space<vmem>>)
      tpu.yield
    }) : () -> ()
    %barrier3A = arith.constant 0 : index
    tpu.barrier barrier_id(%barrier3A)
    %scan3A = arith.constant 0 : i32
    %scan3A_3 = arith.constant 10 : i32
    %scan3A_4 = arith.addi %scan3A, %scan3A_3 : i32
    %scan3A_5 = arith.constant 1 : i32
    scf.for %scan3A_12 = %scan3A to %scan3A_4 step %scan3A_5  : i32 {
      %mul3A_13 = arith.constant 10 : i32
      %mul3A_14 = arith.muli %scan3A_12, %mul3A_13 : i32
      %add3A_15 = arith.constant 0 : i32
      %add3A_16 = arith.addi %add3A_15, %mul3A_14 : i32
      %add3A_17 = arith.constant 0 : i32
      %add3A_18 = arith.addi %add3A_16, %add3A_17 : i32
      %dma_start3A = arith.constant 0 : i32
      %dma_start3A_19 = tpu.memref_slice %arg8[%dma_start3A] : memref<128xf32, #tpu.memory_space<vmem>> -> memref<100xf32, #tpu.memory_space<vmem>>
      %dma_start3A_20 = arith.constant 0 : i32
      %dma_start3A_21 = tpu.memref_slice %arg7[%add3A_18, %dma_start3A_20] : memref<100x100xi32, #tpu.memory_space<vmem>> -> memref<1x100xi32, #tpu.memory_space<vmem>>
      %dma_start3A_22 = tpu.memref_squeeze %dma_start3A_21 : memref<1x100xi32, #tpu.memory_space<vmem>> -> memref<100xi32, #tpu.memory_space<vmem>>
      %dma_start3A_23 = arith.constant 0 : i32
      %dma_start3A_24 = tpu.memref_slice %arg6[%dma_start3A_23] : memref<10240xf32, #tpu.memory_space<vmem_shared>> -> memref<10240xf32, #tpu.memory_space<vmem_shared>>
      tpu.enqueue_indirect_dma source(%dma_start3A_19 : memref<100xf32, #tpu.memory_space<vmem>>) target(%dma_start3A_24 : memref<10240xf32, #tpu.memory_space<vmem_shared>>) offsets(%dma_start3A_22 : memref<100xi32, #tpu.memory_space<vmem>>) semaphore(%arg9 : memref<!tpu.dma_semaphore, #tpu.memory_space<semaphore_mem>>) {add = true}
      %add3A_25 = arith.constant 1 : i32
      %add3A_26 = arith.addi %add3A_16, %add3A_25 : i32
      %dma_start3A_27 = arith.constant 0 : i32
      %dma_start3A_28 = tpu.memref_slice %arg8[%dma_start3A_27] : memref<128xf32, #tpu.memory_space<vmem>> -> memref<100xf32, #tpu.memory_space<vmem>>
      %dma_start3A_29 = arith.constant 0 : i32
      %dma_start3A_30 = tpu.memref_slice %arg7[%add3A_26, %dma_start3A_29] : memref<100x100xi32, #tpu.memory_space<vmem>> -> memref<1x100xi32, #tpu.memory_space<vmem>>
      %dma_start3A_31 = tpu.memref_squeeze %dma_start3A_30 : memref<1x100xi32, #tpu.memory_space<vmem>> -> memref<100xi32, #tpu.memory_space<vmem>>
      %dma_start3A_32 = arith.constant 0 : i32
      %dma_start3A_33 = tpu.memref_slice %arg6[%dma_start3A_32] : memref<10240xf32, #tpu.memory_space<vmem_shared>> -> memref<10240xf32, #tpu.memory_space<vmem_shared>>
      tpu.enqueue_indirect_dma source(%dma_start3A_28 : memref<100xf32, #tpu.memory_space<vmem>>) target(%dma_start3A_33 : memref<10240xf32, #tpu.memory_space<vmem_shared>>) offsets(%dma_start3A_31 : memref<100xi32, #tpu.memory_space<vmem>>) semaphore(%arg9 : memref<!tpu.dma_semaphore, #tpu.memory_space<semaphore_mem>>) {add = true}
      %add3A_34 = arith.constant 2 : i32
      %add3A_35 = arith.addi %add3A_16, %add3A_34 : i32
      %dma_start3A_36 = arith.constant 0 : i32
      %dma_start3A_37 = tpu.memref_slice %arg8[%dma_start3A_36] : memref<128xf32, #tpu.memory_space<vmem>> -> memref<100xf32, #tpu.memory_space<vmem>>
      %dma_start3A_38 = arith.constant 0 : i32
      %dma_start3A_39 = tpu.memref_slice %arg7[%add3A_35, %dma_start3A_38] : memref<100x100xi32, #tpu.memory_space<vmem>> -> memref<1x100xi32, #tpu.memory_space<vmem>>
      %dma_start3A_40 = tpu.memref_squeeze %dma_start3A_39 : memref<1x100xi32, #tpu.memory_space<vmem>> -> memref<100xi32, #tpu.memory_space<vmem>>
      %dma_start3A_41 = arith.constant 0 : i32
      %dma_start3A_42 = tpu.memref_slice %arg6[%dma_start3A_41] : memref<10240xf32, #tpu.memory_space<vmem_shared>> -> memref<10240xf32, #tpu.memory_space<vmem_shared>>
      tpu.enqueue_indirect_dma source(%dma_start3A_37 : memref<100xf32, #tpu.memory_space<vmem>>) target(%dma_start3A_42 : memref<10240xf32, #tpu.memory_space<vmem_shared>>) offsets(%dma_start3A_40 : memref<100xi32, #tpu.memory_space<vmem>>) semaphore(%arg9 : memref<!tpu.dma_semaphore, #tpu.memory_space<semaphore_mem>>) {add = true}
      %add3A_43 = arith.constant 3 : i32
      %add3A_44 = arith.addi %add3A_16, %add3A_43 : i32
      %dma_start3A_45 = arith.constant 0 : i32
      %dma_start3A_46 = tpu.memref_slice %arg8[%dma_start3A_45] : memref<128xf32, #tpu.memory_space<vmem>> -> memref<100xf32, #tpu.memory_space<vmem>>
      %dma_start3A_47 = arith.constant 0 : i32
      %dma_start3A_48 = tpu.memref_slice %arg7[%add3A_44, %dma_start3A_47] : memref<100x100xi32, #tpu.memory_space<vmem>> -> memref<1x100xi32, #tpu.memory_space<vmem>>
      %dma_start3A_49 = tpu.memref_squeeze %dma_start3A_48 : memref<1x100xi32, #tpu.memory_space<vmem>> -> memref<100xi32, #tpu.memory_space<vmem>>
      %dma_start3A_50 = arith.constant 0 : i32
      %dma_start3A_51 = tpu.memref_slice %arg6[%dma_start3A_50] : memref<10240xf32, #tpu.memory_space<vmem_shared>> -> memref<10240xf32, #tpu.memory_space<vmem_shared>>
      tpu.enqueue_indirect_dma source(%dma_start3A_46 : memref<100xf32, #tpu.memory_space<vmem>>) target(%dma_start3A_51 : memref<10240xf32, #tpu.memory_space<vmem_shared>>) offsets(%dma_start3A_49 : memref<100xi32, #tpu.memory_space<vmem>>) semaphore(%arg9 : memref<!tpu.dma_semaphore, #tpu.memory_space<semaphore_mem>>) {add = true}
      %add3A_52 = arith.constant 4 : i32
      %add3A_53 = arith.addi %add3A_16, %add3A_52 : i32
      %dma_start3A_54 = arith.constant 0 : i32
      %dma_start3A_55 = tpu.memref_slice %arg8[%dma_start3A_54] : memref<128xf32, #tpu.memory_space<vmem>> -> memref<100xf32, #tpu.memory_space<vmem>>
      %dma_start3A_56 = arith.constant 0 : i32
      %dma_start3A_57 = tpu.memref_slice %arg7[%add3A_53, %dma_start3A_56] : memref<100x100xi32, #tpu.memory_space<vmem>> -> memref<1x100xi32, #tpu.memory_space<vmem>>
      %dma_start3A_58 = tpu.memref_squeeze %dma_start3A_57 : memref<1x100xi32, #tpu.memory_space<vmem>> -> memref<100xi32, #tpu.memory_space<vmem>>
      %dma_start3A_59 = arith.constant 0 : i32
      %dma_start3A_60 = tpu.memref_slice %arg6[%dma_start3A_59] : memref<10240xf32, #tpu.memory_space<vmem_shared>> -> memref<10240xf32, #tpu.memory_space<vmem_shared>>
      tpu.enqueue_indirect_dma source(%dma_start3A_55 : memref<100xf32, #tpu.memory_space<vmem>>) target(%dma_start3A_60 : memref<10240xf32, #tpu.memory_space<vmem_shared>>) offsets(%dma_start3A_58 : memref<100xi32, #tpu.memory_space<vmem>>) semaphore(%arg9 : memref<!tpu.dma_semaphore, #tpu.memory_space<semaphore_mem>>) {add = true}
      %add3A_61 = arith.constant 5 : i32
      %add3A_62 = arith.addi %add3A_16, %add3A_61 : i32
      %dma_start3A_63 = arith.constant 0 : i32
      %dma_start3A_64 = tpu.memref_slice %arg8[%dma_start3A_63] : memref<128xf32, #tpu.memory_space<vmem>> -> memref<100xf32, #tpu.memory_space<vmem>>
      %dma_start3A_65 = arith.constant 0 : i32
      %dma_start3A_66 = tpu.memref_slice %arg7[%add3A_62, %dma_start3A_65] : memref<100x100xi32, #tpu.memory_space<vmem>> -> memref<1x100xi32, #tpu.memory_space<vmem>>
      %dma_start3A_67 = tpu.memref_squeeze %dma_start3A_66 : memref<1x100xi32, #tpu.memory_space<vmem>> -> memref<100xi32, #tpu.memory_space<vmem>>
      %dma_start3A_68 = arith.constant 0 : i32
      %dma_start3A_69 = tpu.memref_slice %arg6[%dma_start3A_68] : memref<10240xf32, #tpu.memory_space<vmem_shared>> -> memref<10240xf32, #tpu.memory_space<vmem_shared>>
      tpu.enqueue_indirect_dma source(%dma_start3A_64 : memref<100xf32, #tpu.memory_space<vmem>>) target(%dma_start3A_69 : memref<10240xf32, #tpu.memory_space<vmem_shared>>) offsets(%dma_start3A_67 : memref<100xi32, #tpu.memory_space<vmem>>) semaphore(%arg9 : memref<!tpu.dma_semaphore, #tpu.memory_space<semaphore_mem>>) {add = true}
      %add3A_70 = arith.constant 6 : i32
      %add3A_71 = arith.addi %add3A_16, %add3A_70 : i32
      %dma_start3A_72 = arith.constant 0 : i32
      %dma_start3A_73 = tpu.memref_slice %arg8[%dma_start3A_72] : memref<128xf32, #tpu.memory_space<vmem>> -> memref<100xf32, #tpu.memory_space<vmem>>
      %dma_start3A_74 = arith.constant 0 : i32
      %dma_start3A_75 = tpu.memref_slice %arg7[%add3A_71, %dma_start3A_74] : memref<100x100xi32, #tpu.memory_space<vmem>> -> memref<1x100xi32, #tpu.memory_space<vmem>>
      %dma_start3A_76 = tpu.memref_squeeze %dma_start3A_75 : memref<1x100xi32, #tpu.memory_space<vmem>> -> memref<100xi32, #tpu.memory_space<vmem>>
      %dma_start3A_77 = arith.constant 0 : i32
      %dma_start3A_78 = tpu.memref_slice %arg6[%dma_start3A_77] : memref<10240xf32, #tpu.memory_space<vmem_shared>> -> memref<10240xf32, #tpu.memory_space<vmem_shared>>
      tpu.enqueue_indirect_dma source(%dma_start3A_73 : memref<100xf32, #tpu.memory_space<vmem>>) target(%dma_start3A_78 : memref<10240xf32, #tpu.memory_space<vmem_shared>>) offsets(%dma_start3A_76 : memref<100xi32, #tpu.memory_space<vmem>>) semaphore(%arg9 : memref<!tpu.dma_semaphore, #tpu.memory_space<semaphore_mem>>) {add = true}
      %add3A_79 = arith.constant 7 : i32
      %add3A_80 = arith.addi %add3A_16, %add3A_79 : i32
      %dma_start3A_81 = arith.constant 0 : i32
      %dma_start3A_82 = tpu.memref_slice %arg8[%dma_start3A_81] : memref<128xf32, #tpu.memory_space<vmem>> -> memref<100xf32, #tpu.memory_space<vmem>>
      %dma_start3A_83 = arith.constant 0 : i32
      %dma_start3A_84 = tpu.memref_slice %arg7[%add3A_80, %dma_start3A_83] : memref<100x100xi32, #tpu.memory_space<vmem>> -> memref<1x100xi32, #tpu.memory_space<vmem>>
      %dma_start3A_85 = tpu.memref_squeeze %dma_start3A_84 : memref<1x100xi32, #tpu.memory_space<vmem>> -> memref<100xi32, #tpu.memory_space<vmem>>
      %dma_start3A_86 = arith.constant 0 : i32
      %dma_start3A_87 = tpu.memref_slice %arg6[%dma_start3A_86] : memref<10240xf32, #tpu.memory_space<vmem_shared>> -> memref<10240xf32, #tpu.memory_space<vmem_shared>>
      tpu.enqueue_indirect_dma source(%dma_start3A_82 : memref<100xf32, #tpu.memory_space<vmem>>) target(%dma_start3A_87 : memref<10240xf32, #tpu.memory_space<vmem_shared>>) offsets(%dma_start3A_85 : memref<100xi32, #tpu.memory_space<vmem>>) semaphore(%arg9 : memref<!tpu.dma_semaphore, #tpu.memory_space<semaphore_mem>>) {add = true}
      %add3A_88 = arith.constant 8 : i32
      %add3A_89 = arith.addi %add3A_16, %add3A_88 : i32
      %dma_start3A_90 = arith.constant 0 : i32
      %dma_start3A_91 = tpu.memref_slice %arg8[%dma_start3A_90] : memref<128xf32, #tpu.memory_space<vmem>> -> memref<100xf32, #tpu.memory_space<vmem>>
      %dma_start3A_92 = arith.constant 0 : i32
      %dma_start3A_93 = tpu.memref_slice %arg7[%add3A_89, %dma_start3A_92] : memref<100x100xi32, #tpu.memory_space<vmem>> -> memref<1x100xi32, #tpu.memory_space<vmem>>
      %dma_start3A_94 = tpu.memref_squeeze %dma_start3A_93 : memref<1x100xi32, #tpu.memory_space<vmem>> -> memref<100xi32, #tpu.memory_space<vmem>>
      %dma_start3A_95 = arith.constant 0 : i32
      %dma_start3A_96 = tpu.memref_slice %arg6[%dma_start3A_95] : memref<10240xf32, #tpu.memory_space<vmem_shared>> -> memref<10240xf32, #tpu.memory_space<vmem_shared>>
      tpu.enqueue_indirect_dma source(%dma_start3A_91 : memref<100xf32, #tpu.memory_space<vmem>>) target(%dma_start3A_96 : memref<10240xf32, #tpu.memory_space<vmem_shared>>) offsets(%dma_start3A_94 : memref<100xi32, #tpu.memory_space<vmem>>) semaphore(%arg9 : memref<!tpu.dma_semaphore, #tpu.memory_space<semaphore_mem>>) {add = true}
      %add3A_97 = arith.constant 9 : i32
      %add3A_98 = arith.addi %add3A_16, %add3A_97 : i32
      %dma_start3A_99 = arith.constant 0 : i32
      %dma_start3A_100 = tpu.memref_slice %arg8[%dma_start3A_99] : memref<128xf32, #tpu.memory_space<vmem>> -> memref<100xf32, #tpu.memory_space<vmem>>
      %dma_start3A_101 = arith.constant 0 : i32
      %dma_start3A_102 = tpu.memref_slice %arg7[%add3A_98, %dma_start3A_101] : memref<100x100xi32, #tpu.memory_space<vmem>> -> memref<1x100xi32, #tpu.memory_space<vmem>>
      %dma_start3A_103 = tpu.memref_squeeze %dma_start3A_102 : memref<1x100xi32, #tpu.memory_space<vmem>> -> memref<100xi32, #tpu.memory_space<vmem>>
      %dma_start3A_104 = arith.constant 0 : i32
      %dma_start3A_105 = tpu.memref_slice %arg6[%dma_start3A_104] : memref<10240xf32, #tpu.memory_space<vmem_shared>> -> memref<10240xf32, #tpu.memory_space<vmem_shared>>
      tpu.enqueue_indirect_dma source(%dma_start3A_100 : memref<100xf32, #tpu.memory_space<vmem>>) target(%dma_start3A_105 : memref<10240xf32, #tpu.memory_space<vmem_shared>>) offsets(%dma_start3A_103 : memref<100xi32, #tpu.memory_space<vmem>>) semaphore(%arg9 : memref<!tpu.dma_semaphore, #tpu.memory_space<semaphore_mem>>) {add = true}
      %add3A_106 = arith.constant 0 : i32
      %add3A_107 = arith.addi %add3A_16, %add3A_106 : i32
      %dma_wait3A = arith.constant 0 : i32
      %dma_wait3A_108 = tpu.memref_slice %arg8[%dma_wait3A] : memref<128xf32, #tpu.memory_space<vmem>> -> memref<100xf32, #tpu.memory_space<vmem>>
      %dma_wait3A_109 = arith.constant 0 : i32
      %dma_wait3A_110 = tpu.memref_slice %arg7[%add3A_107, %dma_wait3A_109] : memref<100x100xi32, #tpu.memory_space<vmem>> -> memref<1x100xi32, #tpu.memory_space<vmem>>
      %dma_wait3A_111 = tpu.memref_squeeze %dma_wait3A_110 : memref<1x100xi32, #tpu.memory_space<vmem>> -> memref<100xi32, #tpu.memory_space<vmem>>
      %dma_wait3A_112 = arith.constant 0 : i32
      %dma_wait3A_113 = tpu.memref_slice %arg6[%dma_wait3A_112] : memref<10240xf32, #tpu.memory_space<vmem_shared>> -> memref<10240xf32, #tpu.memory_space<vmem_shared>>
      tpu.wait_indirect_dma semaphore(%arg9 : memref<!tpu.dma_semaphore, #tpu.memory_space<semaphore_mem>>) src(%dma_wait3A_108 : memref<100xf32, #tpu.memory_space<vmem>>) dst(%dma_wait3A_113 : memref<10240xf32, #tpu.memory_space<vmem_shared>>)
      %add3A_114 = arith.constant 1 : i32
      %add3A_115 = arith.addi %add3A_16, %add3A_114 : i32
      %dma_wait3A_116 = arith.constant 0 : i32
      %dma_wait3A_117 = tpu.memref_slice %arg8[%dma_wait3A_116] : memref<128xf32, #tpu.memory_space<vmem>> -> memref<100xf32, #tpu.memory_space<vmem>>
      %dma_wait3A_118 = arith.constant 0 : i32
      %dma_wait3A_119 = tpu.memref_slice %arg7[%add3A_115, %dma_wait3A_118] : memref<100x100xi32, #tpu.memory_space<vmem>> -> memref<1x100xi32, #tpu.memory_space<vmem>>
      %dma_wait3A_120 = tpu.memref_squeeze %dma_wait3A_119 : memref<1x100xi32, #tpu.memory_space<vmem>> -> memref<100xi32, #tpu.memory_space<vmem>>
      %dma_wait3A_121 = arith.constant 0 : i32
      %dma_wait3A_122 = tpu.memref_slice %arg6[%dma_wait3A_121] : memref<10240xf32, #tpu.memory_space<vmem_shared>> -> memref<10240xf32, #tpu.memory_space<vmem_shared>>
      tpu.wait_indirect_dma semaphore(%arg9 : memref<!tpu.dma_semaphore, #tpu.memory_space<semaphore_mem>>) src(%dma_wait3A_117 : memref<100xf32, #tpu.memory_space<vmem>>) dst(%dma_wait3A_122 : memref<10240xf32, #tpu.memory_space<vmem_shared>>)
      %add3A_123 = arith.constant 2 : i32
      %add3A_124 = arith.addi %add3A_16, %add3A_123 : i32
      %dma_wait3A_125 = arith.constant 0 : i32
      %dma_wait3A_126 = tpu.memref_slice %arg8[%dma_wait3A_125] : memref<128xf32, #tpu.memory_space<vmem>> -> memref<100xf32, #tpu.memory_space<vmem>>
      %dma_wait3A_127 = arith.constant 0 : i32
      %dma_wait3A_128 = tpu.memref_slice %arg7[%add3A_124, %dma_wait3A_127] : memref<100x100xi32, #tpu.memory_space<vmem>> -> memref<1x100xi32, #tpu.memory_space<vmem>>
      %dma_wait3A_129 = tpu.memref_squeeze %dma_wait3A_128 : memref<1x100xi32, #tpu.memory_space<vmem>> -> memref<100xi32, #tpu.memory_space<vmem>>
      %dma_wait3A_130 = arith.constant 0 : i32
      %dma_wait3A_131 = tpu.memref_slice %arg6[%dma_wait3A_130] : memref<10240xf32, #tpu.memory_space<vmem_shared>> -> memref<10240xf32, #tpu.memory_space<vmem_shared>>
      tpu.wait_indirect_dma semaphore(%arg9 : memref<!tpu.dma_semaphore, #tpu.memory_space<semaphore_mem>>) src(%dma_wait3A_126 : memref<100xf32, #tpu.memory_space<vmem>>) dst(%dma_wait3A_131 : memref<10240xf32, #tpu.memory_space<vmem_shared>>)
      %add3A_132 = arith.constant 3 : i32
      %add3A_133 = arith.addi %add3A_16, %add3A_132 : i32
      %dma_wait3A_134 = arith.constant 0 : i32
      %dma_wait3A_135 = tpu.memref_slice %arg8[%dma_wait3A_134] : memref<128xf32, #tpu.memory_space<vmem>> -> memref<100xf32, #tpu.memory_space<vmem>>
      %dma_wait3A_136 = arith.constant 0 : i32
      %dma_wait3A_137 = tpu.memref_slice %arg7[%add3A_133, %dma_wait3A_136] : memref<100x100xi32, #tpu.memory_space<vmem>> -> memref<1x100xi32, #tpu.memory_space<vmem>>
      %dma_wait3A_138 = tpu.memref_squeeze %dma_wait3A_137 : memref<1x100xi32, #tpu.memory_space<vmem>> -> memref<100xi32, #tpu.memory_space<vmem>>
      %dma_wait3A_139 = arith.constant 0 : i32
      %dma_wait3A_140 = tpu.memref_slice %arg6[%dma_wait3A_139] : memref<10240xf32, #tpu.memory_space<vmem_shared>> -> memref<10240xf32, #tpu.memory_space<vmem_shared>>
      tpu.wait_indirect_dma semaphore(%arg9 : memref<!tpu.dma_semaphore, #tpu.memory_space<semaphore_mem>>) src(%dma_wait3A_135 : memref<100xf32, #tpu.memory_space<vmem>>) dst(%dma_wait3A_140 : memref<10240xf32, #tpu.memory_space<vmem_shared>>)
      %add3A_141 = arith.constant 4 : i32
      %add3A_142 = arith.addi %add3A_16, %add3A_141 : i32
      %dma_wait3A_143 = arith.constant 0 : i32
      %dma_wait3A_144 = tpu.memref_slice %arg8[%dma_wait3A_143] : memref<128xf32, #tpu.memory_space<vmem>> -> memref<100xf32, #tpu.memory_space<vmem>>
      %dma_wait3A_145 = arith.constant 0 : i32
      %dma_wait3A_146 = tpu.memref_slice %arg7[%add3A_142, %dma_wait3A_145] : memref<100x100xi32, #tpu.memory_space<vmem>> -> memref<1x100xi32, #tpu.memory_space<vmem>>
      %dma_wait3A_147 = tpu.memref_squeeze %dma_wait3A_146 : memref<1x100xi32, #tpu.memory_space<vmem>> -> memref<100xi32, #tpu.memory_space<vmem>>
      %dma_wait3A_148 = arith.constant 0 : i32
      %dma_wait3A_149 = tpu.memref_slice %arg6[%dma_wait3A_148] : memref<10240xf32, #tpu.memory_space<vmem_shared>> -> memref<10240xf32, #tpu.memory_space<vmem_shared>>
      tpu.wait_indirect_dma semaphore(%arg9 : memref<!tpu.dma_semaphore, #tpu.memory_space<semaphore_mem>>) src(%dma_wait3A_144 : memref<100xf32, #tpu.memory_space<vmem>>) dst(%dma_wait3A_149 : memref<10240xf32, #tpu.memory_space<vmem_shared>>)
      %add3A_150 = arith.constant 5 : i32
      %add3A_151 = arith.addi %add3A_16, %add3A_150 : i32
      %dma_wait3A_152 = arith.constant 0 : i32
      %dma_wait3A_153 = tpu.memref_slice %arg8[%dma_wait3A_152] : memref<128xf32, #tpu.memory_space<vmem>> -> memref<100xf32, #tpu.memory_space<vmem>>
      %dma_wait3A_154 = arith.constant 0 : i32
      %dma_wait3A_155 = tpu.memref_slice %arg7[%add3A_151, %dma_wait3A_154] : memref<100x100xi32, #tpu.memory_space<vmem>> -> memref<1x100xi32, #tpu.memory_space<vmem>>
      %dma_wait3A_156 = tpu.memref_squeeze %dma_wait3A_155 : memref<1x100xi32, #tpu.memory_space<vmem>> -> memref<100xi32, #tpu.memory_space<vmem>>
      %dma_wait3A_157 = arith.constant 0 : i32
      %dma_wait3A_158 = tpu.memref_slice %arg6[%dma_wait3A_157] : memref<10240xf32, #tpu.memory_space<vmem_shared>> -> memref<10240xf32, #tpu.memory_space<vmem_shared>>
      tpu.wait_indirect_dma semaphore(%arg9 : memref<!tpu.dma_semaphore, #tpu.memory_space<semaphore_mem>>) src(%dma_wait3A_153 : memref<100xf32, #tpu.memory_space<vmem>>) dst(%dma_wait3A_158 : memref<10240xf32, #tpu.memory_space<vmem_shared>>)
      %add3A_159 = arith.constant 6 : i32
      %add3A_160 = arith.addi %add3A_16, %add3A_159 : i32
      %dma_wait3A_161 = arith.constant 0 : i32
      %dma_wait3A_162 = tpu.memref_slice %arg8[%dma_wait3A_161] : memref<128xf32, #tpu.memory_space<vmem>> -> memref<100xf32, #tpu.memory_space<vmem>>
      %dma_wait3A_163 = arith.constant 0 : i32
      %dma_wait3A_164 = tpu.memref_slice %arg7[%add3A_160, %dma_wait3A_163] : memref<100x100xi32, #tpu.memory_space<vmem>> -> memref<1x100xi32, #tpu.memory_space<vmem>>
      %dma_wait3A_165 = tpu.memref_squeeze %dma_wait3A_164 : memref<1x100xi32, #tpu.memory_space<vmem>> -> memref<100xi32, #tpu.memory_space<vmem>>
      %dma_wait3A_166 = arith.constant 0 : i32
      %dma_wait3A_167 = tpu.memref_slice %arg6[%dma_wait3A_166] : memref<10240xf32, #tpu.memory_space<vmem_shared>> -> memref<10240xf32, #tpu.memory_space<vmem_shared>>
      tpu.wait_indirect_dma semaphore(%arg9 : memref<!tpu.dma_semaphore, #tpu.memory_space<semaphore_mem>>) src(%dma_wait3A_162 : memref<100xf32, #tpu.memory_space<vmem>>) dst(%dma_wait3A_167 : memref<10240xf32, #tpu.memory_space<vmem_shared>>)
      %add3A_168 = arith.constant 7 : i32
      %add3A_169 = arith.addi %add3A_16, %add3A_168 : i32
      %dma_wait3A_170 = arith.constant 0 : i32
      %dma_wait3A_171 = tpu.memref_slice %arg8[%dma_wait3A_170] : memref<128xf32, #tpu.memory_space<vmem>> -> memref<100xf32, #tpu.memory_space<vmem>>
      %dma_wait3A_172 = arith.constant 0 : i32
      %dma_wait3A_173 = tpu.memref_slice %arg7[%add3A_169, %dma_wait3A_172] : memref<100x100xi32, #tpu.memory_space<vmem>> -> memref<1x100xi32, #tpu.memory_space<vmem>>
      %dma_wait3A_174 = tpu.memref_squeeze %dma_wait3A_173 : memref<1x100xi32, #tpu.memory_space<vmem>> -> memref<100xi32, #tpu.memory_space<vmem>>
      %dma_wait3A_175 = arith.constant 0 : i32
      %dma_wait3A_176 = tpu.memref_slice %arg6[%dma_wait3A_175] : memref<10240xf32, #tpu.memory_space<vmem_shared>> -> memref<10240xf32, #tpu.memory_space<vmem_shared>>
      tpu.wait_indirect_dma semaphore(%arg9 : memref<!tpu.dma_semaphore, #tpu.memory_space<semaphore_mem>>) src(%dma_wait3A_171 : memref<100xf32, #tpu.memory_space<vmem>>) dst(%dma_wait3A_176 : memref<10240xf32, #tpu.memory_space<vmem_shared>>)
      %add3A_177 = arith.constant 8 : i32
      %add3A_178 = arith.addi %add3A_16, %add3A_177 : i32
      %dma_wait3A_179 = arith.constant 0 : i32
      %dma_wait3A_180 = tpu.memref_slice %arg8[%dma_wait3A_179] : memref<128xf32, #tpu.memory_space<vmem>> -> memref<100xf32, #tpu.memory_space<vmem>>
      %dma_wait3A_181 = arith.constant 0 : i32
      %dma_wait3A_182 = tpu.memref_slice %arg7[%add3A_178, %dma_wait3A_181] : memref<100x100xi32, #tpu.memory_space<vmem>> -> memref<1x100xi32, #tpu.memory_space<vmem>>
      %dma_wait3A_183 = tpu.memref_squeeze %dma_wait3A_182 : memref<1x100xi32, #tpu.memory_space<vmem>> -> memref<100xi32, #tpu.memory_space<vmem>>
      %dma_wait3A_184 = arith.constant 0 : i32
      %dma_wait3A_185 = tpu.memref_slice %arg6[%dma_wait3A_184] : memref<10240xf32, #tpu.memory_space<vmem_shared>> -> memref<10240xf32, #tpu.memory_space<vmem_shared>>
      tpu.wait_indirect_dma semaphore(%arg9 : memref<!tpu.dma_semaphore, #tpu.memory_space<semaphore_mem>>) src(%dma_wait3A_180 : memref<100xf32, #tpu.memory_space<vmem>>) dst(%dma_wait3A_185 : memref<10240xf32, #tpu.memory_space<vmem_shared>>)
      %add3A_186 = arith.constant 9 : i32
      %add3A_187 = arith.addi %add3A_16, %add3A_186 : i32
      %dma_wait3A_188 = arith.constant 0 : i32
      %dma_wait3A_189 = tpu.memref_slice %arg8[%dma_wait3A_188] : memref<128xf32, #tpu.memory_space<vmem>> -> memref<100xf32, #tpu.memory_space<vmem>>
      %dma_wait3A_190 = arith.constant 0 : i32
      %dma_wait3A_191 = tpu.memref_slice %arg7[%add3A_187, %dma_wait3A_190] : memref<100x100xi32, #tpu.memory_space<vmem>> -> memref<1x100xi32, #tpu.memory_space<vmem>>
      %dma_wait3A_192 = tpu.memref_squeeze %dma_wait3A_191 : memref<1x100xi32, #tpu.memory_space<vmem>> -> memref<100xi32, #tpu.memory_space<vmem>>
      %dma_wait3A_193 = arith.constant 0 : i32
      %dma_wait3A_194 = tpu.memref_slice %arg6[%dma_wait3A_193] : memref<10240xf32, #tpu.memory_space<vmem_shared>> -> memref<10240xf32, #tpu.memory_space<vmem_shared>>
      tpu.wait_indirect_dma semaphore(%arg9 : memref<!tpu.dma_semaphore, #tpu.memory_space<semaphore_mem>>) src(%dma_wait3A_189 : memref<100xf32, #tpu.memory_space<vmem>>) dst(%dma_wait3A_194 : memref<10240xf32, #tpu.memory_space<vmem_shared>>)
    }
    %scan3A_6 = arith.constant 10 : i32
    %barrier3A_7 = arith.constant 0 : index
    tpu.barrier barrier_id(%barrier3A_7)
    %mul3A_8 = arith.constant 640 : i32
    %mul3A_9 = arith.muli %arg1, %mul3A_8 : i32
    %mul3A_10 = arith.constant 640 : i32
    %mul3A_11 = arith.muli %arg1, %mul3A_10 : i32
    "tpu.region"() ({
      %run_scoped3A = tpu.sem_alloc : memref<!tpu.dma_semaphore, #tpu.memory_space<semaphore_mem>>
      %dma_start3A = tpu.memref_slice %arg5[%arg0, %mul3A_11] : memref<2x10240xf32, #tpu.memory_space<hbm>> -> memref<1x640xf32, #tpu.memory_space<hbm>>
      %dma_start3A_12 = tpu.memref_squeeze %dma_start3A : memref<1x640xf32, #tpu.memory_space<hbm>> -> memref<640xf32, #tpu.memory_space<hbm>>
      %dma_start3A_13 = tpu.memref_slice %arg6[%mul3A_9] : memref<10240xf32, #tpu.memory_space<vmem_shared>> -> memref<640xf32, #tpu.memory_space<vmem_shared>>
      tpu.enqueue_dma source(%dma_start3A_13 : memref<640xf32, #tpu.memory_space<vmem_shared>>) target(%dma_start3A_12 : memref<640xf32, #tpu.memory_space<hbm>>) target_semaphore(%run_scoped3A : memref<!tpu.dma_semaphore, #tpu.memory_space<semaphore_mem>>)
      %dma_wait3A = tpu.memref_slice %arg5[%arg0, %mul3A_11] : memref<2x10240xf32, #tpu.memory_space<hbm>> -> memref<1x640xf32, #tpu.memory_space<hbm>>
      %dma_wait3A_14 = tpu.memref_squeeze %dma_wait3A : memref<1x640xf32, #tpu.memory_space<hbm>> -> memref<640xf32, #tpu.memory_space<hbm>>
      %dma_wait3A_15 = tpu.memref_slice %arg6[%mul3A_9] : memref<10240xf32, #tpu.memory_space<vmem_shared>> -> memref<640xf32, #tpu.memory_space<vmem_shared>>
      tpu.wait_dma2 semaphore(%run_scoped3A : memref<!tpu.dma_semaphore, #tpu.memory_space<semaphore_mem>>) src(%dma_wait3A_15 : memref<640xf32, #tpu.memory_space<vmem_shared>>) dst(%dma_wait3A_14 : memref<640xf32, #tpu.memory_space<hbm>>)
      tpu.yield
    }) : () -> ()
    return
  }
}

#map = affine_map<(d0, d1) -> (0, 0)>
#map1 = affine_map<(d0, d1) -> (0, 0, 0)>
module attributes {stable_mosaic.version = 14 : i64} {
  func.func @_agg_body(%arg0: i32, %arg1: i32, %arg2: memref<10000x128xf32, #tpu.memory_space<hbm>>, %arg3: memref<32x100x100xi32, #tpu.memory_space<hbm>>, %arg4: memref<32x100x100xi32, #tpu.memory_space<hbm>>, %arg5: memref<640x128xf32, #tpu.memory_space<hbm>>, %arg6: memref<2x10240x128xf32, #tpu.memory_space<hbm>>, %arg7: memref<10240x128xf32, #tpu.memory_space<vmem_shared>>, %arg8: memref<100x100xi32, #tpu.memory_space<vmem>>, %arg9: memref<1x100xi32, #tpu.memory_space<vmem>>, %arg10: memref<1x100xi32, #tpu.memory_space<vmem>>, %arg11: memref<100x128xf32, #tpu.memory_space<vmem>>, %arg12: memref<100x128xf32, #tpu.memory_space<vmem>>, %arg13: memref<!tpu.dma_semaphore, #tpu.memory_space<semaphore_mem>>, %arg14: memref<!tpu.dma_semaphore, #tpu.memory_space<semaphore_mem>>, %arg15: memref<!tpu.dma_semaphore, #tpu.memory_space<semaphore_mem>>, %arg16: memref<!tpu.dma_semaphore, #tpu.memory_space<semaphore_mem>>, %arg17: memref<!tpu.dma_semaphore, #tpu.memory_space<semaphore_mem>>, %arg18: memref<!tpu.dma_semaphore, #tpu.memory_space<semaphore_mem>>) attributes {dimension_semantics = [#tpu.dimension_semantics<core_parallel>, #tpu.dimension_semantics<subcore_parallel>], iteration_bounds = array<i64: 2, 16>, scalar_prefetch = 0 : i64, scratch_operands = 12 : i64, tpu.core_type = #tpu.core_type<sc_vector_subcore>, window_params = [{transform_indices = #map}, {transform_indices = #map1}, {transform_indices = #map1}, {transform_indices = #map}, {transform_indices = #map1}]} {
    %mul3A = arith.constant 2 : i32
    %mul3A_0 = arith.muli %arg1, %mul3A : i32
    %add3A = arith.addi %mul3A_0, %arg0 : i32
    %mul3A_1 = arith.constant 640 : i32
    %mul3A_2 = arith.muli %arg1, %mul3A_1 : i32
    %dma_start3A = arith.constant 0 : i32
    %dma_start3A_3 = tpu.memref_slice %arg7[%mul3A_2, %dma_start3A] : memref<10240x128xf32, #tpu.memory_space<vmem_shared>> -> memref<640x128xf32, #tpu.memory_space<vmem_shared>>
    tpu.enqueue_dma source(%arg5 : memref<640x128xf32, #tpu.memory_space<hbm>>) target(%dma_start3A_3 : memref<640x128xf32, #tpu.memory_space<vmem_shared>>) target_semaphore(%arg17 : memref<!tpu.dma_semaphore, #tpu.memory_space<semaphore_mem>>)
    %dma_start3A_4 = arith.constant 0 : i32
    %dma_start3A_5 = arith.constant 0 : i32
    %dma_start3A_6 = tpu.memref_slice %arg4[%add3A, %dma_start3A_4, %dma_start3A_5] : memref<32x100x100xi32, #tpu.memory_space<hbm>> -> memref<1x100x100xi32, #tpu.memory_space<hbm>>
    %dma_start3A_7 = tpu.memref_squeeze %dma_start3A_6 : memref<1x100x100xi32, #tpu.memory_space<hbm>> -> memref<100x100xi32, #tpu.memory_space<hbm>>
    %dma_start3A_8 = arith.constant 0 : i32
    %dma_start3A_9 = arith.constant 0 : i32
    %dma_start3A_10 = tpu.memref_slice %arg4[%add3A, %dma_start3A_8, %dma_start3A_9] : memref<32x100x100xi32, #tpu.memory_space<hbm>> -> memref<1x100x100xi32, #tpu.memory_space<hbm>>
    %dma_start3A_11 = tpu.memref_squeeze %dma_start3A_10 : memref<1x100x100xi32, #tpu.memory_space<hbm>> -> memref<100x100xi32, #tpu.memory_space<hbm>>
    tpu.enqueue_dma source(%dma_start3A_11 : memref<100x100xi32, #tpu.memory_space<hbm>>) target(%arg8 : memref<100x100xi32, #tpu.memory_space<vmem>>) target_semaphore(%arg18 : memref<!tpu.dma_semaphore, #tpu.memory_space<semaphore_mem>>)
    %dma_start3A_12 = arith.constant 0 : i32
    %dma_start3A_13 = arith.constant 0 : i32
    %dma_start3A_14 = tpu.memref_slice %arg3[%add3A, %dma_start3A_12, %dma_start3A_13] : memref<32x100x100xi32, #tpu.memory_space<hbm>> -> memref<1x1x100xi32, #tpu.memory_space<hbm>>
    %dma_start3A_15 = tpu.memref_squeeze %dma_start3A_14 : memref<1x1x100xi32, #tpu.memory_space<hbm>> -> memref<1x100xi32, #tpu.memory_space<hbm>>
    %dma_start3A_16 = arith.constant 0 : i32
    %dma_start3A_17 = arith.constant 0 : i32
    %dma_start3A_18 = tpu.memref_slice %arg3[%add3A, %dma_start3A_16, %dma_start3A_17] : memref<32x100x100xi32, #tpu.memory_space<hbm>> -> memref<1x1x100xi32, #tpu.memory_space<hbm>>
    %dma_start3A_19 = tpu.memref_squeeze %dma_start3A_18 : memref<1x1x100xi32, #tpu.memory_space<hbm>> -> memref<1x100xi32, #tpu.memory_space<hbm>>
    tpu.enqueue_dma source(%dma_start3A_19 : memref<1x100xi32, #tpu.memory_space<hbm>>) target(%arg9 : memref<1x100xi32, #tpu.memory_space<vmem>>) target_semaphore(%arg13 : memref<!tpu.dma_semaphore, #tpu.memory_space<semaphore_mem>>)
    %dma_start3A_20 = arith.constant 1 : i32
    %dma_start3A_21 = arith.constant 0 : i32
    %dma_start3A_22 = tpu.memref_slice %arg3[%add3A, %dma_start3A_20, %dma_start3A_21] : memref<32x100x100xi32, #tpu.memory_space<hbm>> -> memref<1x1x100xi32, #tpu.memory_space<hbm>>
    %dma_start3A_23 = tpu.memref_squeeze %dma_start3A_22 : memref<1x1x100xi32, #tpu.memory_space<hbm>> -> memref<1x100xi32, #tpu.memory_space<hbm>>
    %dma_start3A_24 = arith.constant 1 : i32
    %dma_start3A_25 = arith.constant 0 : i32
    %dma_start3A_26 = tpu.memref_slice %arg3[%add3A, %dma_start3A_24, %dma_start3A_25] : memref<32x100x100xi32, #tpu.memory_space<hbm>> -> memref<1x1x100xi32, #tpu.memory_space<hbm>>
    %dma_start3A_27 = tpu.memref_squeeze %dma_start3A_26 : memref<1x1x100xi32, #tpu.memory_space<hbm>> -> memref<1x100xi32, #tpu.memory_space<hbm>>
    tpu.enqueue_dma source(%dma_start3A_27 : memref<1x100xi32, #tpu.memory_space<hbm>>) target(%arg10 : memref<1x100xi32, #tpu.memory_space<vmem>>) target_semaphore(%arg14 : memref<!tpu.dma_semaphore, #tpu.memory_space<semaphore_mem>>)
    %dma_wait3A = arith.constant 0 : i32
    %dma_wait3A_28 = arith.constant 0 : i32
    %dma_wait3A_29 = tpu.memref_slice %arg3[%add3A, %dma_wait3A, %dma_wait3A_28] : memref<32x100x100xi32, #tpu.memory_space<hbm>> -> memref<1x1x100xi32, #tpu.memory_space<hbm>>
    %dma_wait3A_30 = tpu.memref_squeeze %dma_wait3A_29 : memref<1x1x100xi32, #tpu.memory_space<hbm>> -> memref<1x100xi32, #tpu.memory_space<hbm>>
    %dma_wait3A_31 = arith.constant 0 : i32
    %dma_wait3A_32 = arith.constant 0 : i32
    %dma_wait3A_33 = tpu.memref_slice %arg3[%add3A, %dma_wait3A_31, %dma_wait3A_32] : memref<32x100x100xi32, #tpu.memory_space<hbm>> -> memref<1x1x100xi32, #tpu.memory_space<hbm>>
    %dma_wait3A_34 = tpu.memref_squeeze %dma_wait3A_33 : memref<1x1x100xi32, #tpu.memory_space<hbm>> -> memref<1x100xi32, #tpu.memory_space<hbm>>
    tpu.wait_dma2 semaphore(%arg13 : memref<!tpu.dma_semaphore, #tpu.memory_space<semaphore_mem>>) src(%dma_wait3A_34 : memref<1x100xi32, #tpu.memory_space<hbm>>) dst(%arg9 : memref<1x100xi32, #tpu.memory_space<vmem>>)
    %dma_start3A_35 = arith.constant 0 : i32
    %dma_start3A_36 = arith.constant 0 : i32
    %dma_start3A_37 = tpu.memref_slice %arg9[%dma_start3A_35, %dma_start3A_36] : memref<1x100xi32, #tpu.memory_space<vmem>> -> memref<1x100xi32, #tpu.memory_space<vmem>>
    %dma_start3A_38 = tpu.memref_squeeze %dma_start3A_37 : memref<1x100xi32, #tpu.memory_space<vmem>> -> memref<100xi32, #tpu.memory_space<vmem>>
    %dma_start3A_39 = arith.constant 0 : i32
    %dma_start3A_40 = arith.constant 0 : i32
    %dma_start3A_41 = tpu.memref_slice %arg2[%dma_start3A_39, %dma_start3A_40] : memref<10000x128xf32, #tpu.memory_space<hbm>> -> memref<10000x128xf32, #tpu.memory_space<hbm>>
    tpu.enqueue_indirect_dma source(%dma_start3A_41 : memref<10000x128xf32, #tpu.memory_space<hbm>>) target(%arg11 : memref<100x128xf32, #tpu.memory_space<vmem>>) offsets(%dma_start3A_38 : memref<100xi32, #tpu.memory_space<vmem>>) semaphore(%arg15 : memref<!tpu.dma_semaphore, #tpu.memory_space<semaphore_mem>>)
    %mul3A_42 = arith.constant 640 : i32
    %mul3A_43 = arith.muli %arg1, %mul3A_42 : i32
    %dma_wait3A_44 = arith.constant 0 : i32
    %dma_wait3A_45 = tpu.memref_slice %arg7[%mul3A_43, %dma_wait3A_44] : memref<10240x128xf32, #tpu.memory_space<vmem_shared>> -> memref<640x128xf32, #tpu.memory_space<vmem_shared>>
    tpu.wait_dma2 semaphore(%arg17 : memref<!tpu.dma_semaphore, #tpu.memory_space<semaphore_mem>>) src(%arg5 : memref<640x128xf32, #tpu.memory_space<hbm>>) dst(%dma_wait3A_45 : memref<640x128xf32, #tpu.memory_space<vmem_shared>>)
    %dma_wait3A_46 = arith.constant 0 : i32
    %dma_wait3A_47 = arith.constant 0 : i32
    %dma_wait3A_48 = tpu.memref_slice %arg4[%add3A, %dma_wait3A_46, %dma_wait3A_47] : memref<32x100x100xi32, #tpu.memory_space<hbm>> -> memref<1x100x100xi32, #tpu.memory_space<hbm>>
    %dma_wait3A_49 = tpu.memref_squeeze %dma_wait3A_48 : memref<1x100x100xi32, #tpu.memory_space<hbm>> -> memref<100x100xi32, #tpu.memory_space<hbm>>
    %dma_wait3A_50 = arith.constant 0 : i32
    %dma_wait3A_51 = arith.constant 0 : i32
    %dma_wait3A_52 = tpu.memref_slice %arg4[%add3A, %dma_wait3A_50, %dma_wait3A_51] : memref<32x100x100xi32, #tpu.memory_space<hbm>> -> memref<1x100x100xi32, #tpu.memory_space<hbm>>
    %dma_wait3A_53 = tpu.memref_squeeze %dma_wait3A_52 : memref<1x100x100xi32, #tpu.memory_space<hbm>> -> memref<100x100xi32, #tpu.memory_space<hbm>>
    tpu.wait_dma2 semaphore(%arg18 : memref<!tpu.dma_semaphore, #tpu.memory_space<semaphore_mem>>) src(%dma_wait3A_53 : memref<100x100xi32, #tpu.memory_space<hbm>>) dst(%arg8 : memref<100x100xi32, #tpu.memory_space<vmem>>)
    %barrier3A = arith.constant 0 : index
    tpu.barrier barrier_id(%barrier3A)
    %scan3A = arith.constant 0 : i32
    %scan3A_54 = arith.constant 49 : i32
    %scan3A_55 = arith.addi %scan3A, %scan3A_54 : i32
    %scan3A_56 = arith.constant 1 : i32
    scf.for %scan3A_93 = %scan3A to %scan3A_55 step %scan3A_56  : i32 {
      %mul3A_94 = arith.constant 2 : i32
      %mul3A_95 = arith.muli %scan3A_93, %mul3A_94 : i32
      %add3A_96 = arith.constant 0 : i32
      %add3A_97 = arith.addi %add3A_96, %mul3A_95 : i32
      %dma_wait3A_98 = arith.constant 0 : i32
      %dma_wait3A_99 = arith.constant 0 : i32
      %dma_wait3A_100 = tpu.memref_slice %arg9[%dma_wait3A_98, %dma_wait3A_99] : memref<1x100xi32, #tpu.memory_space<vmem>> -> memref<1x100xi32, #tpu.memory_space<vmem>>
      %dma_wait3A_101 = tpu.memref_squeeze %dma_wait3A_100 : memref<1x100xi32, #tpu.memory_space<vmem>> -> memref<100xi32, #tpu.memory_space<vmem>>
      %dma_wait3A_102 = arith.constant 0 : i32
      %dma_wait3A_103 = arith.constant 0 : i32
      %dma_wait3A_104 = tpu.memref_slice %arg2[%dma_wait3A_102, %dma_wait3A_103] : memref<10000x128xf32, #tpu.memory_space<hbm>> -> memref<10000x128xf32, #tpu.memory_space<hbm>>
      tpu.wait_indirect_dma semaphore(%arg15 : memref<!tpu.dma_semaphore, #tpu.memory_space<semaphore_mem>>) src(%dma_wait3A_104 : memref<10000x128xf32, #tpu.memory_space<hbm>>) dst(%arg11 : memref<100x128xf32, #tpu.memory_space<vmem>>)
      %add3A_105 = arith.constant 2 : i32
      %add3A_106 = arith.addi %add3A_97, %add3A_105 : i32
      %dma_start3A_107 = arith.constant 0 : i32
      %dma_start3A_108 = tpu.memref_slice %arg3[%add3A, %add3A_106, %dma_start3A_107] : memref<32x100x100xi32, #tpu.memory_space<hbm>> -> memref<1x1x100xi32, #tpu.memory_space<hbm>>
      %dma_start3A_109 = tpu.memref_squeeze %dma_start3A_108 : memref<1x1x100xi32, #tpu.memory_space<hbm>> -> memref<1x100xi32, #tpu.memory_space<hbm>>
      %dma_start3A_110 = arith.constant 0 : i32
      %dma_start3A_111 = tpu.memref_slice %arg3[%add3A, %add3A_106, %dma_start3A_110] : memref<32x100x100xi32, #tpu.memory_space<hbm>> -> memref<1x1x100xi32, #tpu.memory_space<hbm>>
      %dma_start3A_112 = tpu.memref_squeeze %dma_start3A_111 : memref<1x1x100xi32, #tpu.memory_space<hbm>> -> memref<1x100xi32, #tpu.memory_space<hbm>>
      tpu.enqueue_dma source(%dma_start3A_112 : memref<1x100xi32, #tpu.memory_space<hbm>>) target(%arg9 : memref<1x100xi32, #tpu.memory_space<vmem>>) target_semaphore(%arg13 : memref<!tpu.dma_semaphore, #tpu.memory_space<semaphore_mem>>)
      %add3A_113 = arith.constant 1 : i32
      %add3A_114 = arith.addi %add3A_97, %add3A_113 : i32
      %dma_wait3A_115 = arith.constant 0 : i32
      %dma_wait3A_116 = tpu.memref_slice %arg3[%add3A, %add3A_114, %dma_wait3A_115] : memref<32x100x100xi32, #tpu.memory_space<hbm>> -> memref<1x1x100xi32, #tpu.memory_space<hbm>>
      %dma_wait3A_117 = tpu.memref_squeeze %dma_wait3A_116 : memref<1x1x100xi32, #tpu.memory_space<hbm>> -> memref<1x100xi32, #tpu.memory_space<hbm>>
      %dma_wait3A_118 = arith.constant 0 : i32
      %dma_wait3A_119 = tpu.memref_slice %arg3[%add3A, %add3A_114, %dma_wait3A_118] : memref<32x100x100xi32, #tpu.memory_space<hbm>> -> memref<1x1x100xi32, #tpu.memory_space<hbm>>
      %dma_wait3A_120 = tpu.memref_squeeze %dma_wait3A_119 : memref<1x1x100xi32, #tpu.memory_space<hbm>> -> memref<1x100xi32, #tpu.memory_space<hbm>>
      tpu.wait_dma2 semaphore(%arg14 : memref<!tpu.dma_semaphore, #tpu.memory_space<semaphore_mem>>) src(%dma_wait3A_120 : memref<1x100xi32, #tpu.memory_space<hbm>>) dst(%arg10 : memref<1x100xi32, #tpu.memory_space<vmem>>)
      %dma_start3A_121 = arith.constant 0 : i32
      %dma_start3A_122 = arith.constant 0 : i32
      %dma_start3A_123 = tpu.memref_slice %arg10[%dma_start3A_121, %dma_start3A_122] : memref<1x100xi32, #tpu.memory_space<vmem>> -> memref<1x100xi32, #tpu.memory_space<vmem>>
      %dma_start3A_124 = tpu.memref_squeeze %dma_start3A_123 : memref<1x100xi32, #tpu.memory_space<vmem>> -> memref<100xi32, #tpu.memory_space<vmem>>
      %dma_start3A_125 = arith.constant 0 : i32
      %dma_start3A_126 = arith.constant 0 : i32
      %dma_start3A_127 = tpu.memref_slice %arg2[%dma_start3A_125, %dma_start3A_126] : memref<10000x128xf32, #tpu.memory_space<hbm>> -> memref<10000x128xf32, #tpu.memory_space<hbm>>
      tpu.enqueue_indirect_dma source(%dma_start3A_127 : memref<10000x128xf32, #tpu.memory_space<hbm>>) target(%arg12 : memref<100x128xf32, #tpu.memory_space<vmem>>) offsets(%dma_start3A_124 : memref<100xi32, #tpu.memory_space<vmem>>) semaphore(%arg16 : memref<!tpu.dma_semaphore, #tpu.memory_space<semaphore_mem>>)
      "tpu.region"() ({
        %run_scoped3A_160 = tpu.sem_alloc : memref<!tpu.dma_semaphore, #tpu.memory_space<semaphore_mem>>
        %dma_start3A_161 = arith.constant 0 : i32
        %dma_start3A_162 = tpu.memref_slice %arg8[%add3A_97, %dma_start3A_161] : memref<100x100xi32, #tpu.memory_space<vmem>> -> memref<1x100xi32, #tpu.memory_space<vmem>>
        %dma_start3A_163 = tpu.memref_squeeze %dma_start3A_162 : memref<1x100xi32, #tpu.memory_space<vmem>> -> memref<100xi32, #tpu.memory_space<vmem>>
        %dma_start3A_164 = arith.constant 0 : i32
        %dma_start3A_165 = arith.constant 0 : i32
        %dma_start3A_166 = tpu.memref_slice %arg7[%dma_start3A_164, %dma_start3A_165] : memref<10240x128xf32, #tpu.memory_space<vmem_shared>> -> memref<10240x128xf32, #tpu.memory_space<vmem_shared>>
        tpu.enqueue_indirect_dma source(%arg11 : memref<100x128xf32, #tpu.memory_space<vmem>>) target(%dma_start3A_166 : memref<10240x128xf32, #tpu.memory_space<vmem_shared>>) offsets(%dma_start3A_163 : memref<100xi32, #tpu.memory_space<vmem>>) semaphore(%run_scoped3A_160 : memref<!tpu.dma_semaphore, #tpu.memory_space<semaphore_mem>>) {add = true}
        %dma_wait3A_167 = arith.constant 0 : i32
        %dma_wait3A_168 = tpu.memref_slice %arg8[%add3A_97, %dma_wait3A_167] : memref<100x100xi32, #tpu.memory_space<vmem>> -> memref<1x100xi32, #tpu.memory_space<vmem>>
        %dma_wait3A_169 = tpu.memref_squeeze %dma_wait3A_168 : memref<1x100xi32, #tpu.memory_space<vmem>> -> memref<100xi32, #tpu.memory_space<vmem>>
        %dma_wait3A_170 = arith.constant 0 : i32
        %dma_wait3A_171 = arith.constant 0 : i32
        %dma_wait3A_172 = tpu.memref_slice %arg7[%dma_wait3A_170, %dma_wait3A_171] : memref<10240x128xf32, #tpu.memory_space<vmem_shared>> -> memref<10240x128xf32, #tpu.memory_space<vmem_shared>>
        tpu.wait_indirect_dma semaphore(%run_scoped3A_160 : memref<!tpu.dma_semaphore, #tpu.memory_space<semaphore_mem>>) src(%arg11 : memref<100x128xf32, #tpu.memory_space<vmem>>) dst(%dma_wait3A_172 : memref<10240x128xf32, #tpu.memory_space<vmem_shared>>)
        tpu.yield
      }) : () -> ()
      %dma_wait3A_128 = arith.constant 0 : i32
      %dma_wait3A_129 = arith.constant 0 : i32
      %dma_wait3A_130 = tpu.memref_slice %arg10[%dma_wait3A_128, %dma_wait3A_129] : memref<1x100xi32, #tpu.memory_space<vmem>> -> memref<1x100xi32, #tpu.memory_space<vmem>>
      %dma_wait3A_131 = tpu.memref_squeeze %dma_wait3A_130 : memref<1x100xi32, #tpu.memory_space<vmem>> -> memref<100xi32, #tpu.memory_space<vmem>>
      %dma_wait3A_132 = arith.constant 0 : i32
      %dma_wait3A_133 = arith.constant 0 : i32
      %dma_wait3A_134 = tpu.memref_slice %arg2[%dma_wait3A_132, %dma_wait3A_133] : memref<10000x128xf32, #tpu.memory_space<hbm>> -> memref<10000x128xf32, #tpu.memory_space<hbm>>
      tpu.wait_indirect_dma semaphore(%arg16 : memref<!tpu.dma_semaphore, #tpu.memory_space<semaphore_mem>>) src(%dma_wait3A_134 : memref<10000x128xf32, #tpu.memory_space<hbm>>) dst(%arg12 : memref<100x128xf32, #tpu.memory_space<vmem>>)
      %add3A_135 = arith.constant 3 : i32
      %add3A_136 = arith.addi %add3A_97, %add3A_135 : i32
      %dma_start3A_137 = arith.constant 0 : i32
      %dma_start3A_138 = tpu.memref_slice %arg3[%add3A, %add3A_136, %dma_start3A_137] : memref<32x100x100xi32, #tpu.memory_space<hbm>> -> memref<1x1x100xi32, #tpu.memory_space<hbm>>
      %dma_start3A_139 = tpu.memref_squeeze %dma_start3A_138 : memref<1x1x100xi32, #tpu.memory_space<hbm>> -> memref<1x100xi32, #tpu.memory_space<hbm>>
      %dma_start3A_140 = arith.constant 0 : i32
      %dma_start3A_141 = tpu.memref_slice %arg3[%add3A, %add3A_136, %dma_start3A_140] : memref<32x100x100xi32, #tpu.memory_space<hbm>> -> memref<1x1x100xi32, #tpu.memory_space<hbm>>
      %dma_start3A_142 = tpu.memref_squeeze %dma_start3A_141 : memref<1x1x100xi32, #tpu.memory_space<hbm>> -> memref<1x100xi32, #tpu.memory_space<hbm>>
      tpu.enqueue_dma source(%dma_start3A_142 : memref<1x100xi32, #tpu.memory_space<hbm>>) target(%arg10 : memref<1x100xi32, #tpu.memory_space<vmem>>) target_semaphore(%arg14 : memref<!tpu.dma_semaphore, #tpu.memory_space<semaphore_mem>>)
      %add3A_143 = arith.constant 2 : i32
      %add3A_144 = arith.addi %add3A_97, %add3A_143 : i32
      %dma_wait3A_145 = arith.constant 0 : i32
      %dma_wait3A_146 = tpu.memref_slice %arg3[%add3A, %add3A_144, %dma_wait3A_145] : memref<32x100x100xi32, #tpu.memory_space<hbm>> -> memref<1x1x100xi32, #tpu.memory_space<hbm>>
      %dma_wait3A_147 = tpu.memref_squeeze %dma_wait3A_146 : memref<1x1x100xi32, #tpu.memory_space<hbm>> -> memref<1x100xi32, #tpu.memory_space<hbm>>
      %dma_wait3A_148 = arith.constant 0 : i32
      %dma_wait3A_149 = tpu.memref_slice %arg3[%add3A, %add3A_144, %dma_wait3A_148] : memref<32x100x100xi32, #tpu.memory_space<hbm>> -> memref<1x1x100xi32, #tpu.memory_space<hbm>>
      %dma_wait3A_150 = tpu.memref_squeeze %dma_wait3A_149 : memref<1x1x100xi32, #tpu.memory_space<hbm>> -> memref<1x100xi32, #tpu.memory_space<hbm>>
      tpu.wait_dma2 semaphore(%arg13 : memref<!tpu.dma_semaphore, #tpu.memory_space<semaphore_mem>>) src(%dma_wait3A_150 : memref<1x100xi32, #tpu.memory_space<hbm>>) dst(%arg9 : memref<1x100xi32, #tpu.memory_space<vmem>>)
      %dma_start3A_151 = arith.constant 0 : i32
      %dma_start3A_152 = arith.constant 0 : i32
      %dma_start3A_153 = tpu.memref_slice %arg9[%dma_start3A_151, %dma_start3A_152] : memref<1x100xi32, #tpu.memory_space<vmem>> -> memref<1x100xi32, #tpu.memory_space<vmem>>
      %dma_start3A_154 = tpu.memref_squeeze %dma_start3A_153 : memref<1x100xi32, #tpu.memory_space<vmem>> -> memref<100xi32, #tpu.memory_space<vmem>>
      %dma_start3A_155 = arith.constant 0 : i32
      %dma_start3A_156 = arith.constant 0 : i32
      %dma_start3A_157 = tpu.memref_slice %arg2[%dma_start3A_155, %dma_start3A_156] : memref<10000x128xf32, #tpu.memory_space<hbm>> -> memref<10000x128xf32, #tpu.memory_space<hbm>>
      tpu.enqueue_indirect_dma source(%dma_start3A_157 : memref<10000x128xf32, #tpu.memory_space<hbm>>) target(%arg11 : memref<100x128xf32, #tpu.memory_space<vmem>>) offsets(%dma_start3A_154 : memref<100xi32, #tpu.memory_space<vmem>>) semaphore(%arg15 : memref<!tpu.dma_semaphore, #tpu.memory_space<semaphore_mem>>)
      %add3A_158 = arith.constant 1 : i32
      %add3A_159 = arith.addi %add3A_97, %add3A_158 : i32
      "tpu.region"() ({
        %run_scoped3A_160 = tpu.sem_alloc : memref<!tpu.dma_semaphore, #tpu.memory_space<semaphore_mem>>
        %dma_start3A_161 = arith.constant 0 : i32
        %dma_start3A_162 = tpu.memref_slice %arg8[%add3A_159, %dma_start3A_161] : memref<100x100xi32, #tpu.memory_space<vmem>> -> memref<1x100xi32, #tpu.memory_space<vmem>>
        %dma_start3A_163 = tpu.memref_squeeze %dma_start3A_162 : memref<1x100xi32, #tpu.memory_space<vmem>> -> memref<100xi32, #tpu.memory_space<vmem>>
        %dma_start3A_164 = arith.constant 0 : i32
        %dma_start3A_165 = arith.constant 0 : i32
        %dma_start3A_166 = tpu.memref_slice %arg7[%dma_start3A_164, %dma_start3A_165] : memref<10240x128xf32, #tpu.memory_space<vmem_shared>> -> memref<10240x128xf32, #tpu.memory_space<vmem_shared>>
        tpu.enqueue_indirect_dma source(%arg12 : memref<100x128xf32, #tpu.memory_space<vmem>>) target(%dma_start3A_166 : memref<10240x128xf32, #tpu.memory_space<vmem_shared>>) offsets(%dma_start3A_163 : memref<100xi32, #tpu.memory_space<vmem>>) semaphore(%run_scoped3A_160 : memref<!tpu.dma_semaphore, #tpu.memory_space<semaphore_mem>>) {add = true}
        %dma_wait3A_167 = arith.constant 0 : i32
        %dma_wait3A_168 = tpu.memref_slice %arg8[%add3A_159, %dma_wait3A_167] : memref<100x100xi32, #tpu.memory_space<vmem>> -> memref<1x100xi32, #tpu.memory_space<vmem>>
        %dma_wait3A_169 = tpu.memref_squeeze %dma_wait3A_168 : memref<1x100xi32, #tpu.memory_space<vmem>> -> memref<100xi32, #tpu.memory_space<vmem>>
        %dma_wait3A_170 = arith.constant 0 : i32
        %dma_wait3A_171 = arith.constant 0 : i32
        %dma_wait3A_172 = tpu.memref_slice %arg7[%dma_wait3A_170, %dma_wait3A_171] : memref<10240x128xf32, #tpu.memory_space<vmem_shared>> -> memref<10240x128xf32, #tpu.memory_space<vmem_shared>>
        tpu.wait_indirect_dma semaphore(%run_scoped3A_160 : memref<!tpu.dma_semaphore, #tpu.memory_space<semaphore_mem>>) src(%arg12 : memref<100x128xf32, #tpu.memory_space<vmem>>) dst(%dma_wait3A_172 : memref<10240x128xf32, #tpu.memory_space<vmem_shared>>)
        tpu.yield
      }) : () -> ()
    }
    %scan3A_57 = arith.constant 49 : i32
    %dma_wait3A_58 = arith.constant 0 : i32
    %dma_wait3A_59 = arith.constant 0 : i32
    %dma_wait3A_60 = tpu.memref_slice %arg9[%dma_wait3A_58, %dma_wait3A_59] : memref<1x100xi32, #tpu.memory_space<vmem>> -> memref<1x100xi32, #tpu.memory_space<vmem>>
    %dma_wait3A_61 = tpu.memref_squeeze %dma_wait3A_60 : memref<1x100xi32, #tpu.memory_space<vmem>> -> memref<100xi32, #tpu.memory_space<vmem>>
    %dma_wait3A_62 = arith.constant 0 : i32
    %dma_wait3A_63 = arith.constant 0 : i32
    %dma_wait3A_64 = tpu.memref_slice %arg2[%dma_wait3A_62, %dma_wait3A_63] : memref<10000x128xf32, #tpu.memory_space<hbm>> -> memref<10000x128xf32, #tpu.memory_space<hbm>>
    tpu.wait_indirect_dma semaphore(%arg15 : memref<!tpu.dma_semaphore, #tpu.memory_space<semaphore_mem>>) src(%dma_wait3A_64 : memref<10000x128xf32, #tpu.memory_space<hbm>>) dst(%arg11 : memref<100x128xf32, #tpu.memory_space<vmem>>)
    %dma_wait3A_65 = arith.constant 99 : i32
    %dma_wait3A_66 = arith.constant 0 : i32
    %dma_wait3A_67 = tpu.memref_slice %arg3[%add3A, %dma_wait3A_65, %dma_wait3A_66] : memref<32x100x100xi32, #tpu.memory_space<hbm>> -> memref<1x1x100xi32, #tpu.memory_space<hbm>>
    %dma_wait3A_68 = tpu.memref_squeeze %dma_wait3A_67 : memref<1x1x100xi32, #tpu.memory_space<hbm>> -> memref<1x100xi32, #tpu.memory_space<hbm>>
    %dma_wait3A_69 = arith.constant 99 : i32
    %dma_wait3A_70 = arith.constant 0 : i32
    %dma_wait3A_71 = tpu.memref_slice %arg3[%add3A, %dma_wait3A_69, %dma_wait3A_70] : memref<32x100x100xi32, #tpu.memory_space<hbm>> -> memref<1x1x100xi32, #tpu.memory_space<hbm>>
    %dma_wait3A_72 = tpu.memref_squeeze %dma_wait3A_71 : memref<1x1x100xi32, #tpu.memory_space<hbm>> -> memref<1x100xi32, #tpu.memory_space<hbm>>
    tpu.wait_dma2 semaphore(%arg14 : memref<!tpu.dma_semaphore, #tpu.memory_space<semaphore_mem>>) src(%dma_wait3A_72 : memref<1x100xi32, #tpu.memory_space<hbm>>) dst(%arg10 : memref<1x100xi32, #tpu.memory_space<vmem>>)
    %dma_start3A_73 = arith.constant 0 : i32
    %dma_start3A_74 = arith.constant 0 : i32
    %dma_start3A_75 = tpu.memref_slice %arg10[%dma_start3A_73, %dma_start3A_74] : memref<1x100xi32, #tpu.memory_space<vmem>> -> memref<1x100xi32, #tpu.memory_space<vmem>>
    %dma_start3A_76 = tpu.memref_squeeze %dma_start3A_75 : memref<1x100xi32, #tpu.memory_space<vmem>> -> memref<100xi32, #tpu.memory_space<vmem>>
    %dma_start3A_77 = arith.constant 0 : i32
    %dma_start3A_78 = arith.constant 0 : i32
    %dma_start3A_79 = tpu.memref_slice %arg2[%dma_start3A_77, %dma_start3A_78] : memref<10000x128xf32, #tpu.memory_space<hbm>> -> memref<10000x128xf32, #tpu.memory_space<hbm>>
    tpu.enqueue_indirect_dma source(%dma_start3A_79 : memref<10000x128xf32, #tpu.memory_space<hbm>>) target(%arg12 : memref<100x128xf32, #tpu.memory_space<vmem>>) offsets(%dma_start3A_76 : memref<100xi32, #tpu.memory_space<vmem>>) semaphore(%arg16 : memref<!tpu.dma_semaphore, #tpu.memory_space<semaphore_mem>>)
    %run_scoped3A = arith.constant 98 : i32
    "tpu.region"() ({
      %run_scoped3A_93 = tpu.sem_alloc : memref<!tpu.dma_semaphore, #tpu.memory_space<semaphore_mem>>
      %dma_start3A_94 = arith.constant 0 : i32
      %dma_start3A_95 = tpu.memref_slice %arg8[%run_scoped3A, %dma_start3A_94] : memref<100x100xi32, #tpu.memory_space<vmem>> -> memref<1x100xi32, #tpu.memory_space<vmem>>
      %dma_start3A_96 = tpu.memref_squeeze %dma_start3A_95 : memref<1x100xi32, #tpu.memory_space<vmem>> -> memref<100xi32, #tpu.memory_space<vmem>>
      %dma_start3A_97 = arith.constant 0 : i32
      %dma_start3A_98 = arith.constant 0 : i32
      %dma_start3A_99 = tpu.memref_slice %arg7[%dma_start3A_97, %dma_start3A_98] : memref<10240x128xf32, #tpu.memory_space<vmem_shared>> -> memref<10240x128xf32, #tpu.memory_space<vmem_shared>>
      tpu.enqueue_indirect_dma source(%arg11 : memref<100x128xf32, #tpu.memory_space<vmem>>) target(%dma_start3A_99 : memref<10240x128xf32, #tpu.memory_space<vmem_shared>>) offsets(%dma_start3A_96 : memref<100xi32, #tpu.memory_space<vmem>>) semaphore(%run_scoped3A_93 : memref<!tpu.dma_semaphore, #tpu.memory_space<semaphore_mem>>) {add = true}
      %dma_wait3A_100 = arith.constant 0 : i32
      %dma_wait3A_101 = tpu.memref_slice %arg8[%run_scoped3A, %dma_wait3A_100] : memref<100x100xi32, #tpu.memory_space<vmem>> -> memref<1x100xi32, #tpu.memory_space<vmem>>
      %dma_wait3A_102 = tpu.memref_squeeze %dma_wait3A_101 : memref<1x100xi32, #tpu.memory_space<vmem>> -> memref<100xi32, #tpu.memory_space<vmem>>
      %dma_wait3A_103 = arith.constant 0 : i32
      %dma_wait3A_104 = arith.constant 0 : i32
      %dma_wait3A_105 = tpu.memref_slice %arg7[%dma_wait3A_103, %dma_wait3A_104] : memref<10240x128xf32, #tpu.memory_space<vmem_shared>> -> memref<10240x128xf32, #tpu.memory_space<vmem_shared>>
      tpu.wait_indirect_dma semaphore(%run_scoped3A_93 : memref<!tpu.dma_semaphore, #tpu.memory_space<semaphore_mem>>) src(%arg11 : memref<100x128xf32, #tpu.memory_space<vmem>>) dst(%dma_wait3A_105 : memref<10240x128xf32, #tpu.memory_space<vmem_shared>>)
      tpu.yield
    }) : () -> ()
    %dma_wait3A_80 = arith.constant 0 : i32
    %dma_wait3A_81 = arith.constant 0 : i32
    %dma_wait3A_82 = tpu.memref_slice %arg10[%dma_wait3A_80, %dma_wait3A_81] : memref<1x100xi32, #tpu.memory_space<vmem>> -> memref<1x100xi32, #tpu.memory_space<vmem>>
    %dma_wait3A_83 = tpu.memref_squeeze %dma_wait3A_82 : memref<1x100xi32, #tpu.memory_space<vmem>> -> memref<100xi32, #tpu.memory_space<vmem>>
    %dma_wait3A_84 = arith.constant 0 : i32
    %dma_wait3A_85 = arith.constant 0 : i32
    %dma_wait3A_86 = tpu.memref_slice %arg2[%dma_wait3A_84, %dma_wait3A_85] : memref<10000x128xf32, #tpu.memory_space<hbm>> -> memref<10000x128xf32, #tpu.memory_space<hbm>>
    tpu.wait_indirect_dma semaphore(%arg16 : memref<!tpu.dma_semaphore, #tpu.memory_space<semaphore_mem>>) src(%dma_wait3A_86 : memref<10000x128xf32, #tpu.memory_space<hbm>>) dst(%arg12 : memref<100x128xf32, #tpu.memory_space<vmem>>)
    %run_scoped3A_87 = arith.constant 99 : i32
    "tpu.region"() ({
      %run_scoped3A_93 = tpu.sem_alloc : memref<!tpu.dma_semaphore, #tpu.memory_space<semaphore_mem>>
      %dma_start3A_94 = arith.constant 0 : i32
      %dma_start3A_95 = tpu.memref_slice %arg8[%run_scoped3A_87, %dma_start3A_94] : memref<100x100xi32, #tpu.memory_space<vmem>> -> memref<1x100xi32, #tpu.memory_space<vmem>>
      %dma_start3A_96 = tpu.memref_squeeze %dma_start3A_95 : memref<1x100xi32, #tpu.memory_space<vmem>> -> memref<100xi32, #tpu.memory_space<vmem>>
      %dma_start3A_97 = arith.constant 0 : i32
      %dma_start3A_98 = arith.constant 0 : i32
      %dma_start3A_99 = tpu.memref_slice %arg7[%dma_start3A_97, %dma_start3A_98] : memref<10240x128xf32, #tpu.memory_space<vmem_shared>> -> memref<10240x128xf32, #tpu.memory_space<vmem_shared>>
      tpu.enqueue_indirect_dma source(%arg12 : memref<100x128xf32, #tpu.memory_space<vmem>>) target(%dma_start3A_99 : memref<10240x128xf32, #tpu.memory_space<vmem_shared>>) offsets(%dma_start3A_96 : memref<100xi32, #tpu.memory_space<vmem>>) semaphore(%run_scoped3A_93 : memref<!tpu.dma_semaphore, #tpu.memory_space<semaphore_mem>>) {add = true}
      %dma_wait3A_100 = arith.constant 0 : i32
      %dma_wait3A_101 = tpu.memref_slice %arg8[%run_scoped3A_87, %dma_wait3A_100] : memref<100x100xi32, #tpu.memory_space<vmem>> -> memref<1x100xi32, #tpu.memory_space<vmem>>
      %dma_wait3A_102 = tpu.memref_squeeze %dma_wait3A_101 : memref<1x100xi32, #tpu.memory_space<vmem>> -> memref<100xi32, #tpu.memory_space<vmem>>
      %dma_wait3A_103 = arith.constant 0 : i32
      %dma_wait3A_104 = arith.constant 0 : i32
      %dma_wait3A_105 = tpu.memref_slice %arg7[%dma_wait3A_103, %dma_wait3A_104] : memref<10240x128xf32, #tpu.memory_space<vmem_shared>> -> memref<10240x128xf32, #tpu.memory_space<vmem_shared>>
      tpu.wait_indirect_dma semaphore(%run_scoped3A_93 : memref<!tpu.dma_semaphore, #tpu.memory_space<semaphore_mem>>) src(%arg12 : memref<100x128xf32, #tpu.memory_space<vmem>>) dst(%dma_wait3A_105 : memref<10240x128xf32, #tpu.memory_space<vmem_shared>>)
      tpu.yield
    }) : () -> ()
    %barrier3A_88 = arith.constant 0 : index
    tpu.barrier barrier_id(%barrier3A_88)
    %mul3A_89 = arith.constant 640 : i32
    %mul3A_90 = arith.muli %arg1, %mul3A_89 : i32
    %mul3A_91 = arith.constant 640 : i32
    %mul3A_92 = arith.muli %arg1, %mul3A_91 : i32
    "tpu.region"() ({
      %run_scoped3A_93 = tpu.sem_alloc : memref<!tpu.dma_semaphore, #tpu.memory_space<semaphore_mem>>
      %dma_start3A_94 = arith.constant 0 : i32
      %dma_start3A_95 = tpu.memref_slice %arg6[%arg0, %mul3A_92, %dma_start3A_94] : memref<2x10240x128xf32, #tpu.memory_space<hbm>> -> memref<1x640x128xf32, #tpu.memory_space<hbm>>
      %dma_start3A_96 = tpu.memref_squeeze %dma_start3A_95 : memref<1x640x128xf32, #tpu.memory_space<hbm>> -> memref<640x128xf32, #tpu.memory_space<hbm>>
      %dma_start3A_97 = arith.constant 0 : i32
      %dma_start3A_98 = tpu.memref_slice %arg7[%mul3A_90, %dma_start3A_97] : memref<10240x128xf32, #tpu.memory_space<vmem_shared>> -> memref<640x128xf32, #tpu.memory_space<vmem_shared>>
      tpu.enqueue_dma source(%dma_start3A_98 : memref<640x128xf32, #tpu.memory_space<vmem_shared>>) target(%dma_start3A_96 : memref<640x128xf32, #tpu.memory_space<hbm>>) target_semaphore(%run_scoped3A_93 : memref<!tpu.dma_semaphore, #tpu.memory_space<semaphore_mem>>)
      %dma_wait3A_99 = arith.constant 0 : i32
      %dma_wait3A_100 = tpu.memref_slice %arg6[%arg0, %mul3A_92, %dma_wait3A_99] : memref<2x10240x128xf32, #tpu.memory_space<hbm>> -> memref<1x640x128xf32, #tpu.memory_space<hbm>>
      %dma_wait3A_101 = tpu.memref_squeeze %dma_wait3A_100 : memref<1x640x128xf32, #tpu.memory_space<hbm>> -> memref<640x128xf32, #tpu.memory_space<hbm>>
      %dma_wait3A_102 = arith.constant 0 : i32
      %dma_wait3A_103 = tpu.memref_slice %arg7[%mul3A_90, %dma_wait3A_102] : memref<10240x128xf32, #tpu.memory_space<vmem_shared>> -> memref<640x128xf32, #tpu.memory_space<vmem_shared>>
      tpu.wait_dma2 semaphore(%run_scoped3A_93 : memref<!tpu.dma_semaphore, #tpu.memory_space<semaphore_mem>>) src(%dma_wait3A_103 : memref<640x128xf32, #tpu.memory_space<vmem_shared>>) dst(%dma_wait3A_101 : memref<640x128xf32, #tpu.memory_space<hbm>>)
      tpu.yield
    }) : () -> ()
    return
  }
}

module attributes {stable_mosaic.version = 14 : i64} {
  func.func @_mm_body(%arg0: i32, %arg1: memref<1000x128xf32, #tpu.memory_space<vmem>>, %arg2: memref<128x128xf32, #tpu.memory_space<vmem>>, %arg3: memref<1000x128xf32, #tpu.memory_space<vmem>>) attributes {dimension_semantics = [#tpu.dimension_semantics<arbitrary>], iteration_bounds = array<i64: 10>, scalar_prefetch = 0 : i64, scratch_operands = 0 : i64, tpu.core_type = #tpu.core_type<tc>, window_params = [{transform_indices = @transform_0, window_bounds = array<i64: 1000, 128>}, {pipeline_mode = #tpu.pipeline_mode<synchronous>, transform_indices = @transform_1, window_bounds = array<i64: 128, 128>}, {transform_indices = @transform_2, window_bounds = array<i64: 1000, 128>}]} {
    %get3A = arith.constant 0 : index
    %get3A_0 = arith.constant 0 : index
    %get3A_1 = vector.load %arg1[%get3A, %get3A_0] : memref<1000x128xf32, #tpu.memory_space<vmem>>, vector<1000x128xf32>
    %get3A_2 = arith.constant 0 : index
    %get3A_3 = arith.constant 0 : index
    %get3A_4 = vector.load %arg2[%get3A_2, %get3A_3] : memref<128x128xf32, #tpu.memory_space<vmem>>, vector<128x128xf32>
    %dot_general3A = arith.constant dense<0.000000e+00> : vector<1000x128xf32>
    %dot_general3A_5 = tpu.matmul %get3A_1, %get3A_4, %dot_general3A {dimension_numbers = #tpu.dot_dimension_numbers<[1], [0], [0], [1], [0, 0, 1, 1], [], []>, transpose_lhs_hint = false} : vector<1000x128xf32>, vector<128x128xf32>, vector<1000x128xf32> -> vector<1000x128xf32>
    %swap3A = arith.constant 0 : index
    %swap3A_6 = arith.constant 0 : index
    %swap3A_7 = vector.load %arg3[%swap3A, %swap3A_6] : memref<1000x128xf32, #tpu.memory_space<vmem>>, vector<1000x128xf32>
    tpu.vector_store %arg3[%swap3A, %swap3A_6], %dot_general3A_5 {strides = array<i32>} : memref<1000x128xf32, #tpu.memory_space<vmem>>, vector<1000x128xf32>,
    return
  }
  func.func @transform_0(%arg0: i32) -> (i32, i32) {
    %c0_i32 = arith.constant 0 : i32
    %c0_i32_0 = arith.constant 0 : i32
    return %arg0, %c0_i32 : i32, i32
  }
  func.func @transform_1(%arg0: i32) -> (i32, i32) {
    %c0_i32 = arith.constant 0 : i32
    %c0_i32_0 = arith.constant 0 : i32
    %c0_i32_1 = arith.constant 0 : i32
    return %c0_i32, %c0_i32_0 : i32, i32
  }
  func.func @transform_2(%arg0: i32) -> (i32, i32) {
    %c0_i32 = arith.constant 0 : i32
    %c0_i32_0 = arith.constant 0 : i32
    return %arg0, %c0_i32 : i32, i32
  }
}

module attributes {stable_mosaic.version = 14 : i64} {
  func.func @_scale_body(%arg0: i32, %arg1: memref<1000x128xf32, #tpu.memory_space<vmem>>, %arg2: memref<1000x1xf32, #tpu.memory_space<vmem>>, %arg3: memref<1000x128xf32, #tpu.memory_space<vmem>>) attributes {dimension_semantics = [#tpu.dimension_semantics<arbitrary>], iteration_bounds = array<i64: 10>, scalar_prefetch = 0 : i64, scratch_operands = 0 : i64, tpu.core_type = #tpu.core_type<tc>, window_params = [{transform_indices = @transform_0, window_bounds = array<i64: 1000, 128>}, {transform_indices = @transform_1, window_bounds = array<i64: 1000, 1>}, {transform_indices = @transform_2, window_bounds = array<i64: 1000, 128>}]} {
    %get3A = arith.constant 0 : index
    %get3A_0 = arith.constant 0 : index
    %get3A_1 = vector.load %arg1[%get3A, %get3A_0] : memref<1000x128xf32, #tpu.memory_space<vmem>>, vector<1000x128xf32>
    %get3A_2 = arith.constant 0 : index
    %get3A_3 = arith.constant 0 : index
    %get3A_4 = vector.load %arg2[%get3A_2, %get3A_3] : memref<1000x1xf32, #tpu.memory_space<vmem>>, vector<1000x1xf32>
    %rsqrt3A = math.rsqrt %get3A_4 : vector<1000x1xf32>
    %mul3A = vector.broadcast %rsqrt3A : vector<1000x1xf32> to vector<1000x128xf32>
    %mul3A_5 = arith.mulf %get3A_1, %mul3A : vector<1000x128xf32>
    %swap3A = arith.constant 0 : index
    %swap3A_6 = arith.constant 0 : index
    %swap3A_7 = vector.load %arg3[%swap3A, %swap3A_6] : memref<1000x128xf32, #tpu.memory_space<vmem>>, vector<1000x128xf32>
    tpu.vector_store %arg3[%swap3A, %swap3A_6], %mul3A_5 {strides = array<i32>} : memref<1000x128xf32, #tpu.memory_space<vmem>>, vector<1000x128xf32>,
    return
  }
  func.func @transform_0(%arg0: i32) -> (i32, i32) {
    %c0_i32 = arith.constant 0 : i32
    %c0_i32_0 = arith.constant 0 : i32
    return %arg0, %c0_i32 : i32, i32
  }
  func.func @transform_1(%arg0: i32) -> (i32, i32) {
    %c0_i32 = arith.constant 0 : i32
    %c0_i32_0 = arith.constant 0 : i32
    return %arg0, %c0_i32 : i32, i32
  }
  func.func @transform_2(%arg0: i32) -> (i32, i32) {
    %c0_i32 = arith.constant 0 : i32
    %c0_i32_0 = arith.constant 0 : i32
    return %arg0, %c0_i32 : i32, i32
  }
}

module attributes {stable_mosaic.version = 14 : i64} {
  func.func @_mid_body(%arg0: i32, %arg1: memref<2x1000x128xf32, #tpu.memory_space<vmem>>, %arg2: memref<1000x128xf32, #tpu.memory_space<vmem>>, %arg3: memref<1000x1xf32, #tpu.memory_space<vmem>>, %arg4: memref<128x128xf32, #tpu.memory_space<vmem>>, %arg5: memref<1x128xf32, #tpu.memory_space<vmem>>, %arg6: memref<1000x128xf32, #tpu.memory_space<vmem>>) attributes {dimension_semantics = [#tpu.dimension_semantics<arbitrary>], iteration_bounds = array<i64: 10>, scalar_prefetch = 0 : i64, scratch_operands = 0 : i64, tpu.core_type = #tpu.core_type<tc>, window_params = [{transform_indices = @transform_0, window_bounds = array<i64: 2, 1000, 128>}, {transform_indices = @transform_1, window_bounds = array<i64: 1000, 128>}, {transform_indices = @transform_2, window_bounds = array<i64: 1000, 1>}, {pipeline_mode = #tpu.pipeline_mode<synchronous>, transform_indices = @transform_3, window_bounds = array<i64: 128, 128>}, {pipeline_mode = #tpu.pipeline_mode<synchronous>, transform_indices = @transform_4, window_bounds = array<i64: 1, 128>}, {transform_indices = @transform_5, window_bounds = array<i64: 1000, 128>}]} {
    %get3A = arith.constant 0 : index
    %get3A_0 = arith.constant 0 : index
    %get3A_1 = vector.load %arg3[%get3A, %get3A_0] : memref<1000x1xf32, #tpu.memory_space<vmem>>, vector<1000x1xf32>
    %rsqrt3A = math.rsqrt %get3A_1 : vector<1000x1xf32>
    %get3A_2 = arith.constant 0 : index
    %get3A_3 = arith.constant 0 : index
    %get3A_4 = arith.constant 0 : index
    %get3A_5 = vector.load %arg1[%get3A_2, %get3A_3, %get3A_4] : memref<2x1000x128xf32, #tpu.memory_space<vmem>>, vector<1x1000x128xf32>
    %get3A_6 = vector.shape_cast %get3A_5 : vector<1x1000x128xf32> to vector<1000x128xf32>
    %get3A_7 = arith.constant 1 : index
    %get3A_8 = arith.constant 0 : index
    %get3A_9 = arith.constant 0 : index
    %get3A_10 = vector.load %arg1[%get3A_7, %get3A_8, %get3A_9] : memref<2x1000x128xf32, #tpu.memory_space<vmem>>, vector<1x1000x128xf32>
    %get3A_11 = vector.shape_cast %get3A_10 : vector<1x1000x128xf32> to vector<1000x128xf32>
    %add3A = arith.addf %get3A_6, %get3A_11 : vector<1000x128xf32>
    %get3A_12 = arith.constant 0 : index
    %get3A_13 = arith.constant 0 : index
    %get3A_14 = vector.load %arg2[%get3A_12, %get3A_13] : memref<1000x128xf32, #tpu.memory_space<vmem>>, vector<1000x128xf32>
    %add3A_15 = arith.addf %add3A, %get3A_14 : vector<1000x128xf32>
    %mul3A = vector.broadcast %rsqrt3A : vector<1000x1xf32> to vector<1000x128xf32>
    %mul3A_16 = arith.mulf %add3A_15, %mul3A : vector<1000x128xf32>
    %get3A_17 = arith.constant 0 : index
    %get3A_18 = arith.constant 0 : index
    %get3A_19 = vector.load %arg5[%get3A_17, %get3A_18] : memref<1x128xf32, #tpu.memory_space<vmem>>, vector<1x128xf32>
    %add3A_20 = vector.broadcast %get3A_19 : vector<1x128xf32> to vector<1000x128xf32>
    %add3A_21 = arith.addf %mul3A_16, %add3A_20 : vector<1000x128xf32>
    %get3A_22 = arith.constant 0 : index
    %get3A_23 = arith.constant 0 : index
    %get3A_24 = vector.load %arg4[%get3A_22, %get3A_23] : memref<128x128xf32, #tpu.memory_space<vmem>>, vector<128x128xf32>
    %dot_general3A = arith.constant dense<0.000000e+00> : vector<1000x128xf32>
    %dot_general3A_25 = tpu.matmul %add3A_21, %get3A_24, %dot_general3A {dimension_numbers = #tpu.dot_dimension_numbers<[1], [0], [0], [1], [0, 0, 1, 1], [], []>, transpose_lhs_hint = false} : vector<1000x128xf32>, vector<128x128xf32>, vector<1000x128xf32> -> vector<1000x128xf32>
    %mul3A_26 = vector.broadcast %rsqrt3A : vector<1000x1xf32> to vector<1000x128xf32>
    %mul3A_27 = arith.mulf %dot_general3A_25, %mul3A_26 : vector<1000x128xf32>
    %swap3A = arith.constant 0 : index
    %swap3A_28 = arith.constant 0 : index
    %swap3A_29 = vector.load %arg6[%swap3A, %swap3A_28] : memref<1000x128xf32, #tpu.memory_space<vmem>>, vector<1000x128xf32>
    tpu.vector_store %arg6[%swap3A, %swap3A_28], %mul3A_27 {strides = array<i32>} : memref<1000x128xf32, #tpu.memory_space<vmem>>, vector<1000x128xf32>,
    return
  }
  func.func @transform_0(%arg0: i32) -> (i32, i32, i32) {
    %c0_i32 = arith.constant 0 : i32
    %c0_i32_0 = arith.constant 0 : i32
    %c0_i32_1 = arith.constant 0 : i32
    return %c0_i32, %arg0, %c0_i32_0 : i32, i32, i32
  }
  func.func @transform_1(%arg0: i32) -> (i32, i32) {
    %c0_i32 = arith.constant 0 : i32
    %c0_i32_0 = arith.constant 0 : i32
    return %arg0, %c0_i32 : i32, i32
  }
  func.func @transform_2(%arg0: i32) -> (i32, i32) {
    %c0_i32 = arith.constant 0 : i32
    %c0_i32_0 = arith.constant 0 : i32
    return %arg0, %c0_i32 : i32, i32
  }
  func.func @transform_3(%arg0: i32) -> (i32, i32) {
    %c0_i32 = arith.constant 0 : i32
    %c0_i32_0 = arith.constant 0 : i32
    %c0_i32_1 = arith.constant 0 : i32
    return %c0_i32, %c0_i32_0 : i32, i32
  }
  func.func @transform_4(%arg0: i32) -> (i32, i32) {
    %c0_i32 = arith.constant 0 : i32
    %c0_i32_0 = arith.constant 0 : i32
    %c0_i32_1 = arith.constant 0 : i32
    return %c0_i32, %c0_i32_0 : i32, i32
  }
  func.func @transform_5(%arg0: i32) -> (i32, i32) {
    %c0_i32 = arith.constant 0 : i32
    %c0_i32_0 = arith.constant 0 : i32
    return %arg0, %c0_i32 : i32, i32
  }
}

module attributes {stable_mosaic.version = 14 : i64} {
  func.func @_fin_body(%arg0: i32, %arg1: memref<2x1000x128xf32, #tpu.memory_space<vmem>>, %arg2: memref<1000x128xf32, #tpu.memory_space<vmem>>, %arg3: memref<1000x1xf32, #tpu.memory_space<vmem>>, %arg4: memref<1x128xf32, #tpu.memory_space<vmem>>, %arg5: memref<1000x128xf32, #tpu.memory_space<vmem>>, %arg6: memref<1000x128xf32, #tpu.memory_space<vmem>>) attributes {dimension_semantics = [#tpu.dimension_semantics<arbitrary>], iteration_bounds = array<i64: 10>, scalar_prefetch = 0 : i64, scratch_operands = 0 : i64, tpu.core_type = #tpu.core_type<tc>, window_params = [{transform_indices = @transform_0, window_bounds = array<i64: 2, 1000, 128>}, {transform_indices = @transform_1, window_bounds = array<i64: 1000, 128>}, {transform_indices = @transform_2, window_bounds = array<i64: 1000, 1>}, {pipeline_mode = #tpu.pipeline_mode<synchronous>, transform_indices = @transform_3, window_bounds = array<i64: 1, 128>}, {transform_indices = @transform_4, window_bounds = array<i64: 1000, 128>}, {transform_indices = @transform_5, window_bounds = array<i64: 1000, 128>}]} {
    %get3A = arith.constant 0 : index
    %get3A_0 = arith.constant 0 : index
    %get3A_1 = vector.load %arg3[%get3A, %get3A_0] : memref<1000x1xf32, #tpu.memory_space<vmem>>, vector<1000x1xf32>
    %rsqrt3A = math.rsqrt %get3A_1 : vector<1000x1xf32>
    %get3A_2 = arith.constant 0 : index
    %get3A_3 = arith.constant 0 : index
    %get3A_4 = arith.constant 0 : index
    %get3A_5 = vector.load %arg1[%get3A_2, %get3A_3, %get3A_4] : memref<2x1000x128xf32, #tpu.memory_space<vmem>>, vector<1x1000x128xf32>
    %get3A_6 = vector.shape_cast %get3A_5 : vector<1x1000x128xf32> to vector<1000x128xf32>
    %get3A_7 = arith.constant 1 : index
    %get3A_8 = arith.constant 0 : index
    %get3A_9 = arith.constant 0 : index
    %get3A_10 = vector.load %arg1[%get3A_7, %get3A_8, %get3A_9] : memref<2x1000x128xf32, #tpu.memory_space<vmem>>, vector<1x1000x128xf32>
    %get3A_11 = vector.shape_cast %get3A_10 : vector<1x1000x128xf32> to vector<1000x128xf32>
    %add3A = arith.addf %get3A_6, %get3A_11 : vector<1000x128xf32>
    %get3A_12 = arith.constant 0 : index
    %get3A_13 = arith.constant 0 : index
    %get3A_14 = vector.load %arg2[%get3A_12, %get3A_13] : memref<1000x128xf32, #tpu.memory_space<vmem>>, vector<1000x128xf32>
    %add3A_15 = arith.addf %add3A, %get3A_14 : vector<1000x128xf32>
    %mul3A = vector.broadcast %rsqrt3A : vector<1000x1xf32> to vector<1000x128xf32>
    %mul3A_16 = arith.mulf %add3A_15, %mul3A : vector<1000x128xf32>
    %get3A_17 = arith.constant 0 : index
    %get3A_18 = arith.constant 0 : index
    %get3A_19 = vector.load %arg4[%get3A_17, %get3A_18] : memref<1x128xf32, #tpu.memory_space<vmem>>, vector<1x128xf32>
    %add3A_20 = vector.broadcast %get3A_19 : vector<1x128xf32> to vector<1000x128xf32>
    %add3A_21 = arith.addf %mul3A_16, %add3A_20 : vector<1000x128xf32>
    %reduce_max3A = arith.constant dense<0xFF800000> : vector<1000xf32>
    %reduce_max3A_22 = vector.multi_reduction <maximumf>, %add3A_21, %reduce_max3A [1] : vector<1000x128xf32> to vector<1000xf32>
    %broadcast_in_dim3A = vector.shape_cast %reduce_max3A_22 : vector<1000xf32> to vector<1000x1xf32>
    %sub3A = vector.broadcast %broadcast_in_dim3A : vector<1000x1xf32> to vector<1000x128xf32>
    %sub3A_23 = arith.subf %add3A_21, %sub3A : vector<1000x128xf32>
    %exp3A = math.exp %sub3A_23 : vector<1000x128xf32>
    %reduce_sum3A = arith.constant dense<0.000000e+00> : vector<1000xf32>
    %reduce_sum3A_24 = vector.multi_reduction <add>, %exp3A, %reduce_sum3A [1] : vector<1000x128xf32> to vector<1000xf32>
    %broadcast_in_dim3A_25 = vector.shape_cast %reduce_sum3A_24 : vector<1000xf32> to vector<1000x1xf32>
    %log3A = math.log %broadcast_in_dim3A_25 : vector<1000x1xf32>
    %add3A_26 = arith.addf %broadcast_in_dim3A, %log3A : vector<1000x1xf32>
    %sub3A_27 = vector.broadcast %add3A_26 : vector<1000x1xf32> to vector<1000x128xf32>
    %sub3A_28 = arith.subf %add3A_21, %sub3A_27 : vector<1000x128xf32>
    %swap3A = arith.constant 0 : index
    %swap3A_29 = arith.constant 0 : index
    %swap3A_30 = vector.load %arg5[%swap3A, %swap3A_29] : memref<1000x128xf32, #tpu.memory_space<vmem>>, vector<1000x128xf32>
    tpu.vector_store %arg5[%swap3A, %swap3A_29], %sub3A_28 {strides = array<i32>} : memref<1000x128xf32, #tpu.memory_space<vmem>>, vector<1000x128xf32>,
    %swap3A_31 = arith.constant 0 : index
    %swap3A_32 = arith.constant 0 : index
    %swap3A_33 = vector.load %arg6[%swap3A_31, %swap3A_32] : memref<1000x128xf32, #tpu.memory_space<vmem>>, vector<1000x128xf32>
    tpu.vector_store %arg6[%swap3A_31, %swap3A_32], %add3A_21 {strides = array<i32>} : memref<1000x128xf32, #tpu.memory_space<vmem>>, vector<1000x128xf32>,
    return
  }
  func.func @transform_0(%arg0: i32) -> (i32, i32, i32) {
    %c0_i32 = arith.constant 0 : i32
    %c0_i32_0 = arith.constant 0 : i32
    %c0_i32_1 = arith.constant 0 : i32
    return %c0_i32, %arg0, %c0_i32_0 : i32, i32, i32
  }
  func.func @transform_1(%arg0: i32) -> (i32, i32) {
    %c0_i32 = arith.constant 0 : i32
    %c0_i32_0 = arith.constant 0 : i32
    return %arg0, %c0_i32 : i32, i32
  }
  func.func @transform_2(%arg0: i32) -> (i32, i32) {
    %c0_i32 = arith.constant 0 : i32
    %c0_i32_0 = arith.constant 0 : i32
    return %arg0, %c0_i32 : i32, i32
  }
  func.func @transform_3(%arg0: i32) -> (i32, i32) {
    %c0_i32 = arith.constant 0 : i32
    %c0_i32_0 = arith.constant 0 : i32
    %c0_i32_1 = arith.constant 0 : i32
    return %c0_i32, %c0_i32_0 : i32, i32
  }
  func.func @transform_4(%arg0: i32) -> (i32, i32) {
    %c0_i32 = arith.constant 0 : i32
    %c0_i32_0 = arith.constant 0 : i32
    return %arg0, %c0_i32 : i32, i32
  }
  func.func @transform_5(%arg0: i32) -> (i32, i32) {
    %c0_i32 = arith.constant 0 : i32
    %c0_i32_0 = arith.constant 0 : i32
    return %arg0, %c0_i32 : i32, i32
  }
}

</mosaic_0001>

<sc_bundles>
// kernel: kernel.12.cloned.1.call-start
scs
__scs_entry_jumppad:
0x0: {  	(pc) =	sbr.rel $0x88, $3  }
0x1: {  	(tag) =	ssettag $0x0;
	lr =	simm.s32 $0x1  }
0x2: {  	[smem:$0x3F9B] =	sst lr;
	_ =	strace $0xD0000000  }
0x3: {  	_ = 	snop  }
0x4: {  	_ = 	snop  }
0x5: {  	_ = 	snop  }
0x6: {  	_ = 	snop  }
0x7: {  	_ = 	snop  }
__scs_overlays_trampoline_lowered:
0x8: {  	[smem:$0x3FAA] =	sst s0  }
0x9: {  	[smem:$0x3FAB] =	sst s1  }
0xa: {  	[smem:$0x3FAC] =	sst s2  }
0xb: {  	[smem:$0x3FAD] =	sst s3  }
0xc: {  	[smem:$0x3FAE] =	sst s4  }
0xd: {  	[smem:$0x3FAF] =	sst s5  }
0xe: {  	[smem:$0x3FB0] =	sst s6  }
0xf: {  	[smem:$0x3FB1] =	sst s7  }
0x10: {  	[smem:$0x3FB2] =	sst s8  }
0x11: {  	[smem:$0x3FB3] =	sst s9;
	s0 =	simm.s32 @!p0 $0x0  }
0x12: {  	s1 =	sld [smem:$0x3F99];
	s0 =	simm.s32 @p0 $0x1  }
0x13: {  	[smem:$0x3FB4] =	sst s0;
	s0 =	simm.s32 @!p1 $0x0  }
0x14: {  	s2 =	sld [smem:$0x3F98];
	s0 =	simm.s32 @p1 $0x1  }
0x15: {  	[smem:$0x3FB5] =	sst s0;
	s0 =	simm.s32 @!p2 $0x0  }
0x16: {  	s3 =	sld [smem:$0x3FDB];
	s0 =	simm.s32 @p2 $0x1  }
0x17: {  	s4 =	simm.s32 $0x1BF5;
	[smem:$0x3FB7] =	sst s0  }
0x18: {  	s0 =	sld [smem:$0x3F9A];
	_ =	swait.ge [sflag:s4], $0x0  }
0x19: {  	s7 =	sld [smem:$0x3F9B]  }
0x1a: {  	s8 =	sadd.s32 $0xFFFFE003, lr  }
0x1b: {  	s9 =	sadd.s32 $0xFFFFFEF7, lr;
	s5 =	simm.s32 $0xFFFFFFFF;
	p2 =	slt.u32 s8, $0xFFFFF086  }
0x1c: {  	p1 =	slt.u32 s9, $0xF7A;
	s5 =	simm.s32 @!p2 $0x0  }
0x1d: {  	s5 =	simm.s32 @p1 $0x1;
	p0 =	seq.s32 s7, s2  }
0x1e: {  	s7 =	smul.u32 @!p0 $0xF7A, s2;
	p2 =	seq.s32 @!p0 s5, $0x0  }
0x1f: {  	s9 =	smul.u32 $0xF7A, s1;
	s8 =	simm.s32 @!p0 $0x1BF5;
	p2 =	por !p2, p0  }
0x20: {  	[sflag:s8] =	ssyncset.s32 @!p0 $0xFFFFF086;
	s6 =	sadd.s32 @!p0 s3, s7;
	s7 =	simm.s32 @!p0 $0x108  }
0x21: {  	s3 =	sadd.s32 s3, s9;
	s6 =	sadd.s32 @!p0 $0x88, s6;
	s7 =	simm.s32 @p2 $0x1082  }
0x22: {  	[simem:s7], [sflag:s8] =	dma.local @!p0 [hbm:s6], $0xF7A  }
0x23: {  	s9 =	sor.u32 $0xD0000000, s2;
	s6 =	simm.s32 $0x108;
	_ =	swait.ge @!p0 [sflag:s8], $0x0  }
0x24: {  	s3 =	sadd.s32 $0x88, s3;
	s6 =	simm.s32 @!p1 $0x1082;
	[sflag:s4] =	ssyncset.s32 $0xFFFFF086  }
0x25: {  	[simem:s6], [sflag:s4] =	dma.local [hbm:s3], $0xF7A  }
0x26: {  	[smem:$0x3F9B] =	sst s1;
	(tag) =	ssettag s2;
	_ =	strace s9  }
0x27: {  	s1 =	sld [smem:$0x3FAB]  }
0x28: {  	s2 =	sld [smem:$0x3FAC]  }
0x29: {  	s4 =	sld [smem:$0x3FAE]  }
0x2a: {  	p0 =	seq.s32 s5, $0x0;
	s5 =	sld [smem:$0x3FAF]  }
0x2b: {  	s6 =	sld [smem:$0x3FB0]  }
0x2c: {  	s7 =	sld [smem:$0x3FB1]  }
0x2d: {  	s3 =	simm.s32 $0x108;
	s8 =	sld [smem:$0x3FB2]  }
0x2e: {  	s3 =	simm.s32 @!p0 $0x1082;
	s9 =	sld [smem:$0x3FB3]  }
0x2f: {  	lr =	sadd.s32 s0, s3;
	s0 =	sld [smem:$0x3FAA]  }
0x30: {  	s3 =	sld [smem:$0x3FAD]  }
0x31: {  	[smem:$0x3FB6] =	sst s10  }
0x32: {  	s10 =	sld [smem:$0x3FB4];
	_ =	sdelay $0x3  }
0x33: {  	p0 =	seq.s32 s10, $0x1;
	s10 =	sld [smem:$0x3FB6];
	_ =	sdelay $0x3  }
0x34: {  	[smem:$0x3FB6] =	sst s10  }
0x35: {  	s10 =	sld [smem:$0x3FB5];
	_ =	sdelay $0x3  }
0x36: {  	p1 =	seq.s32 s10, $0x1;
	s10 =	sld [smem:$0x3FB6];
	_ =	sdelay $0x3  }
0x37: {  	[smem:$0x3FB6] =	sst s10  }
0x38: {  	s10 =	sld [smem:$0x3FB7]  }
0x39: {  	_ = 	snop;
	(pc) =	sbr.ind lr, $3  }
0x3a: {  	_ = 	snop  }
0x3b: {  	_ = 	snop  }
0x3c: {  	p2 =	seq.s32 s10, $0x1;
	s10 =	sld [smem:$0x3FB6]  }
0x3d: {  	_ =	shalt  }
0x3e: {  	_ =	shalt  }
0x3f: {  	_ =	shalt  }
0x40: {  	_ =	shalt  }
0x41: {  	_ =	shalt  }
0x42: {  	_ =	shalt  }
0x43: {  	_ =	shalt  }
0x44: {  	_ =	shalt  }
0x45: {  	_ =	shalt  }
0x46: {  	_ =	shalt  }
0x47: {  	_ =	shalt  }
0x48: {  	_ =	shalt  }
0x49: {  	_ =	shalt  }
0x4a: {  	_ =	shalt  }
0x4b: {  	_ =	shalt  }
0x4c: {  	_ =	shalt  }
0x4d: {  	_ =	shalt  }
0x4e: {  	_ =	shalt  }
0x4f: {  	_ =	shalt  }
0x50: {  	_ =	shalt  }
0x51: {  	_ =	shalt  }
0x52: {  	_ =	shalt  }
0x53: {  	_ =	shalt  }
0x54: {  	_ =	shalt  }
0x55: {  	_ =	shalt  }
0x56: {  	_ =	shalt  }
0x57: {  	_ =	shalt  }
0x58: {  	_ =	shalt  }
0x59: {  	_ =	shalt  }
0x5a: {  	_ =	shalt  }
0x5b: {  	_ =	shalt  }
0x5c: {  	_ =	shalt  }
0x5d: {  	_ =	shalt  }
0x5e: {  	_ =	shalt  }
0x5f: {  	_ =	shalt  }
0x60: {  	_ =	shalt  }
0x61: {  	_ =	shalt  }
0x62: {  	_ =	shalt  }
0x63: {  	_ =	shalt  }
0x64: {  	_ =	shalt  }
0x65: {  	_ =	shalt  }
0x66: {  	_ =	shalt  }
0x67: {  	_ =	shalt  }
0x68: {  	_ =	shalt  }
0x69: {  	_ =	shalt  }
0x6a: {  	_ =	shalt  }
0x6b: {  	_ =	shalt  }
0x6c: {  	_ =	shalt  }
0x6d: {  	_ =	shalt  }
0x6e: {  	_ =	shalt  }
0x6f: {  	_ =	shalt  }
0x70: {  	_ =	shalt  }
0x71: {  	_ =	shalt  }
0x72: {  	_ =	shalt  }
0x73: {  	_ =	shalt  }
0x74: {  	_ =	shalt  }
0x75: {  	_ =	shalt  }
0x76: {  	_ =	shalt  }
0x77: {  	_ =	shalt  }
0x78: {  	_ =	shalt  }
0x79: {  	_ =	shalt  }
0x7a: {  	_ =	shalt  }
0x7b: {  	_ =	shalt  }
0x7c: {  	_ =	shalt  }
0x7d: {  	_ =	shalt  }
0x7e: {  	_ =	shalt  }
0x7f: {  	_ =	shalt  }
0x80: {  	_ =	shalt  }
0x81: {  	_ =	shalt  }
0x82: {  	_ =	shalt  }
0x83: {  	_ =	shalt  }
0x84: {  	_ =	shalt  }
0x85: {  	_ =	shalt  }
0x86: {  	_ =	shalt  }
0x87: {  	_ =	shalt  }
.Lfunc_end0:
.L_simem_size_0:
called_computation.1_lowered:
.L_overlay_start_0:
0x88: {  	s2 =	sld [smem:$0x3FD9]  }
0x89: {  	s3 =	sld [smem:$0x3FFE];
	_ =	sdelay $0x1  }
0x8a: {  	s1 =	srdreg.scid  }
0x8b: {  	s0 =	sand.u32 $0x1, s1  }
0x8c: {  	s14 =	sshll.u32 s0, $0xA;
	s2 =	sadd.s32 s3, s2  }
0x8d: {  	s2 =	sadd.s32 s2, s14  }
0x8e: {  	[smem:$0x3FC2] =	sst s2  }
0x8f: {  	_ = 	snop  }
0x90: {  	s2 =	sld [smem:$0x3FD0];
	_ =	sdelay $0x2  }
0x91: {  	s15 =	simm.s32 $0xA;
	s4 =	simm.s32 $0x10  }
0x92: {  	[smem:s4], [sflag:s15] =	dma.local [hbm:s2], $0x1  }
0x93: {  	_ =	swait.eq [sflag:s15], $0x1  }
0x94: {  	[sflag:s15] =	ssyncset.done $0x0  }
0x95: {  	s16 =	sld [smem:$0x10];
	[sflag:s15] =	ssyncadd.s32 $0xFFFFFFFF  }
0x96: {  	s17 =	sld [smem:$0x11];
	(tm) =	ssettm $0x1  }
0x97: {  	s18 =	sld [smem:$0x3FFB];
	_ =	sdelay $0x3  }
0x98: {  	_ =	strace s18  }
0x99: {  	s4 =	sld [smem:$0x3FFC];
	_ =	sdelay $0x3  }
0x9a: {  	_ =	strace s4  }
0x9b: {  	s4 =	sld [smem:$0x3FFD];
	_ =	sdelay $0x3  }
0x9c: {  	_ =	strace s4  }
0x9d: {  	_ =	strace $0x8FFFFFFF  }
0x9e: {  	s19 =	sld [smem:$0x3FDB];
	_ =	sdelay $0x1  }
0x9f: {  	s5 =	simm.s32 $_scs_section_size  }
0xa0: {  	s6 =	simm.s32 $_size__tile_overlayer_lowered;
	s7 =	simm.s32 $_tile_overlayer_lowered  }
0xa1: {  	s22 =	simm.s32 $0x1BFF;
	s21 =	sshll.u32 s7, $0x1;
	s4 =	sadd.s32 s5, s19  }
0xa2: {  	s8 =	simm.s32 $0x0;
	s20 =	sshll.u32 s6, $0x1;
	s6 =	sadd.s32 s21, s4  }
0xa3: {  	[timem:s8], [sflag:s22] =	dma.local [hbm:s6], s20  }
0xa4: {  	_ =	swait.ge [sflag:s22], s20  }
0xa5: {  	s5 =	ssub.s32 $0x0, s20;
	[sflag:s22] =	ssyncset.done $0x0  }
0xa6: {  	[sflag:s22] =	ssyncadd.s32 s5;
	_ =	sdelay $0x1  }
0xa7: {  	s23 =	simm.s32 $0x1B8B  }
0xa8: {  	_ =	swait.ge [sflag:s23], $0x1  }
0xa9: {  	[sflag:s23] =	ssyncset.done $0x0  }
0xaa: {  	s25 =	simm.s32 $0x1B8E;
	s24 =	sld [smem:$0x3FFE];
	[sflag:s23] =	ssyncadd.s32 $0xFFFFFFFF  }
0xab: {  	s26 =	simm.s32 $execute0_lowered;
	[smem:$0x3FD2] =	sst s25  }
0xac: {  	s6 =	sshll.u32 s26, $0x1;
	_ =	strace $0x80000049;
	[dreg:$0x1] =	wrdreg $0xFFFFFFFF  }
0xad: {  	s28 =	simm.s32 $_size_execute0_lowered;
	s4 =	sadd.s32 s4, s6;
	[dreg:$0x0] =	wrdreg $0x0  }
0xae: {  	s6 =	sshll.u32 s28, $0x1;
	[dreg:$0x2] =	wrdreg s4  }
0xaf: {  	[dreg:$0x3] =	wrdreg s6  }
0xb0: {  	[dreg:$0x4] =	wrdreg $0xC0  }
0xb1: {  	_ =	task [dreg:s8], $0x5FFFF  }
0xb2: {  	[dreg:$0x1] =	wrdreg $0xFFFFFFFF  }
0xb3: {  	[dreg:$0x0] =	wrdreg $0x60  }
0xb4: {  	[dreg:$0x2] =	wrdreg s17  }
0xb5: {  	[dreg:$0x3] =	wrdreg s24  }
0xb6: {  	[dreg:$0x4] =	wrdreg s16  }
0xb7: {  	[dreg:$0x5] =	wrdreg $0x0  }
0xb8: {  	[dreg:$0x6] =	wrdreg $0x9  }
0xb9: {  	_ =	task.clear_ibuf [dreg:s8], $0x7FFFF;
	_ =	strace $0x90000049  }
0xba: {  	s29 =	simm.s32 $0x9;
	_ =	strace $0x8000004B  }
0xbb: {  	_ =	swait.ge [sflag:s29], $0x1  }
0xbc: {  	[sflag:s29] =	ssyncadd.s32 $0xFFFFFFFF  }
0xbd: {  	_ =	strace $0x9000004B  }
0xbe: {  	_ =	sfence  }
0xbf: {  	s30 =	sld [smem:$0x0];
	_ =	sdelay $0x2  }
0xc0: {  	s31 =	sshll.u32 s1, $0xD;
	s1 =	sshrl.u32 s1, $0x2  }
0xc1: {  	s3 =	sand.u32 $0x4000, s31;
	s1 =	sadd.s32 s1, s30  }
0xc2: {  	s0 =	sor.u32 s3, s0;
	s1 =	sshll.u32 s1, $0x11  }
0xc3: {  	s0 =	sor.u32 s1, s0  }
0xc4: {  	s0 =	sadd.s32 $0x8F2B, s0  }
0xc5: {  	[sflag:s0] =	ssyncadd.remote.s32 $0x1  }
0xc6: {  	_ =	sfence.sel $0xFFFF  }
0xc7: {  	[dreg:$0x0] =	wrdreg $0xFFFFFFFF;
	(pc) =	sbr.abs _section_cstart, $3  }
0xc8: {  	[dreg:$0x1] =	wrdreg $0xFFFFFFFF  }
0xc9: {  	_ =	task.clear_ibuf [dreg:s8], $0x2FFFF;
	_ =	strace $0x9FFFFFFF  }
0xca: {  	(tm) =	ssettm $0x7FFFFFFF  }
0xcb: {  	_ =	shalt  }
tec
execute0_lowered:
.L_overlay_start_1:
0x0: {  	(tag) =	ssettag $0x1  }
0x1: {  	s1 =	rddreg [dreg:$0x0]  }
0x2: {  	s0 =	rddreg [dreg:$0x1]  }
0x3: {  	s3 =	rddreg [dreg:$0x2]  }
0x4: {  	s2 =	rddreg [dreg:$0x3]  }
0x5: {  	s4 =	srdreg.scid;
	s11 =	stileid.u32  }
0x6: {  	s17 =	simm.s32 $0x17400;
	s18 =	simm.s32 $0x17480;
	s19 =	simm.s32 $0x1  }
0x7: {  	s20 =	simm.s32 $0x64;
	s21 =	simm.s32 $0x17500;
	s22 =	simm.s32 $0x5  }
0x8: {  	s28 =	simm.s32 $0x7;
	s29 =	simm.s32 $0x4;
	s6 =	sand.u32 $0x1, s4  }
0x9: {  	s4 =	simm.s32 $0x0;
	s8 =	smul.u32 $0x14000, s11;
	s5 =	sadd.s32 $0x2800, s0  }
0xa: {  	s23 =	sshll.u32 s11, $0x1;
	s24 =	smul.u32 $0x50000, s11;
	s12 =	sadd.s32 $0xF800, s0  }
0xb: {  	s7 =	smul.u32 $0x140000, s6;
	[smem:$0x7FF] =	sst s4;
	s9 =	ssub.s32 $0x2, s6  }
0xc: {  	s6 =	sor.u32 s6, s23;
	s23 =	simm.s32 $0x6;
	_ =	strace $0x8000004A  }
0xd: {  	s10 =	sshrl.u32 s9, $0x1;
	s6 =	smul.u32 $0x3400, s6;
	[dreg:$0x5] =	wrdreg s12  }
0xe: {  	s26 =	sshrl.u32 s24, $0x2;
	s24 =	simm.s32 $0x3;
	s7 =	sadd.s32 s8, s7  }
0xf: {  	s25 =	ssub.s32 s9, s10;
	s8 =	sshll.u32 s11, $0x6;
	s15 =	sadd.s32 s26, s2  }
0x10: {  	s26 =	simm.s32 $0x1A900;
	s7 =	sshrl.u32 s7, $0x3;
	s30 =	sshrl.u32 s6, $0x3  }
0x11: {  	s31 =	sor.u32 $0x1C05, s8;
	s14 =	smax.u32 s25, $0x1;
	s15 =	sshrl.u32 s15, $0x3  }
0x12: {  	s25 =	simm.s32 $0x2;
	[dreg:$0x6] =	wrdreg s31;
	s3 =	sadd.s32 s3, s30  }
0x13: {  	s0 =	sadd.s32 s7, s0;
	s10 =	sadd.s32 s5, s30;
	[dreg:$0x7] =	wrdreg s3  }
0x14: {  	s12 =	sadd.s32 $0x10, s10;
	s13 =	sadd.s32 $0x12000, s0;
	s0 =	simm.s32 $0x0  }
.LBB2_1:
0x15: {  	s3 =	rddreg [dreg:$0x5]  }
0x16: {  	s7 =	rddreg [dreg:$0x6]  }
0x17: {  	[spmem:s15], [sflag:s7] =	dma.local [hbm:s3], $0x2800  }
0x18: {  	s9 =	simm.s32 $0x14000;
	s3 =	rddreg [dreg:$0x7]  }
0x19: {  	[tilespmem:s9], [sflag:$0x6] =	stream.linear.gather [hbm4b:s3+s4], $0x3200, $0x38;
	[tilespmem:$0x1DD00] =	vst v63  }
0x1a: {  	_ = 	snop  }
0x1b: {  	[tilespmem:s17], [sflag:$0x1] =	stream.linear.gather [hbm4b:s10+s4], $0x80, $0x38;
	[tilespmem:$0x1DD00] =	vst v63  }
0x1c: {  	_ = 	snop  }
0x1d: {  	[tilespmem:s18], [sflag:$0x2] =	stream.linear.gather [hbm4b:s12+s4], $0x80, $0x38;
	[tilespmem:$0x1DD00] =	vst v63  }
0x1e: {  	_ =	swait.ge [sflag:s19], $0x80  }
0x1f: {  	[sflag:s19] =	ssyncset.done $0x0  }
0x20: {  	[sflag:s19] =	ssyncadd.s32 $0xFFFFFF80  }
0x21: {  	[tilespmem:s21], [sflag:$0x3] =	stream.indirect.gather [hbm4b:s1+s20], $0x80, s17, s20, $0xb8;
	[tilespmem:$0x1DD00] =	vst v63  }
0x22: {  	_ =	swait.ge [sflag:s22], $0x2800  }
0x23: {  	[sflag:s22] =	ssyncset.done $0x0  }
0x24: {  	[sflag:s22] =	ssyncadd.s32 $0xFFFFD800  }
0x25: {  	_ =	swait.ge [sflag:s23], $0x3200  }
0x26: {  	s11 =	simm.s32 $0x100;
	[sflag:s23] =	ssyncset.done $0x0  }
0x27: {  	s16 =	sand.u32 $0x7C00, s11;
	[sflag:s23] =	ssyncadd.s32 $0xFFFFCE00  }
0x28: {  	s7 =	sadd.s32 s6, s16;
	s3 =	sand.u32 $0x300, s11;
	[bflag:$0x0] =	sbarrier.arrive $0xFFFF  }
0x29: {  	s3 =	sor.u32 s3, s7;
	_ =	swait.ge [sflag:s24], $0x3200  }
0x2a: {  	s3 =	sshrl.u32 s3, $0x3;
	[sflag:s24] =	ssyncset.done $0x0  }
0x2b: {  	s3 =	sadd.s32 s5, s3;
	[sflag:s24] =	ssyncadd.s32 $0xFFFFCE00  }
0x2c: {  	[tilespmem:s17], [sflag:$0x1] =	stream.linear.gather [hbm4b:s3+s4], $0x80, $0x38;
	[tilespmem:$0x1DD00] =	vst v63  }
0x2d: {  	_ =	swait.ge [sflag:s25], $0x80  }
0x2e: {  	[sflag:s25] =	ssyncset.done $0x0  }
0x2f: {  	[sflag:s25] =	ssyncadd.s32 $0xFFFFFF80  }
0x30: {  	[tilespmem:s26], [sflag:$0x4] =	stream.indirect.gather [hbm4b:s1+s20], $0x80, s18, s20, $0xb8;
	[tilespmem:$0x1DD00] =	vst v63  }
0x31: {  	s7 =	simm.s32 $0x14000  }
0x32: {  	[spmem:s2] =	stream.indirect.scatter.add.f32 [tilespmem:s21], [sflag:$0x7], $0x80, s7, s20, $0xb8;
	[tilespmem:$0x1DD00] =	vst v63  }
0x33: {  	s9 =	simm.s32 $0x180;
	_ =	swait.ge [sflag:s28], $0x3200  }
0x34: {  	s11 =	sand.u32 $0x7C00, s9;
	[sflag:s28] =	ssyncset.done $0x0  }
0x35: {  	s3 =	sand.u32 $0x380, s9;
	s7 =	sadd.s32 s6, s11;
	[sflag:s28] =	ssyncadd.s32 $0xFFFFCE00  }
0x36: {  	s3 =	sor.u32 s3, s7;
	_ =	swait.ge [sflag:s29], $0x3200  }
0x37: {  	s3 =	sshrl.u32 s3, $0x3;
	[sflag:s29] =	ssyncset.done $0x0  }
0x38: {  	s3 =	sadd.s32 s5, s3;
	[sflag:s29] =	ssyncadd.s32 $0xFFFFCE00  }
0x39: {  	[tilespmem:s18], [sflag:$0x2] =	stream.linear.gather [hbm4b:s3+s4], $0x80, $0x38;
	[tilespmem:$0x1DD00] =	vst v63  }
0x3a: {  	_ =	swait.ge [sflag:s19], $0x80  }
0x3b: {  	[sflag:s19] =	ssyncset.done $0x0  }
0x3c: {  	[sflag:s19] =	ssyncadd.s32 $0xFFFFFF80  }
0x3d: {  	[tilespmem:s21], [sflag:$0x3] =	stream.indirect.gather [hbm4b:s1+s20], $0x80, s17, s20, $0xb8;
	[tilespmem:$0x1DD00] =	vst v63  }
0x3e: {  	s16 =	simm.s32 $0x14080  }
0x3f: {  	[spmem:s2] =	stream.indirect.scatter.add.f32 [tilespmem:s26], [sflag:$0x7], $0x80, s16, s20, $0xb8;
	[tilespmem:$0x1DD00] =	vst v63  }
0x40: {  	s30 =	simm.s32 $0x380;
	s31 =	simm.s32 $0x200;
	_ =	swait.ge [sflag:s28], $0x3200  }
0x41: {  	s3 =	simm.s32 $0x14180;
	s16 =	simm.s32 $0x280;
	[sflag:s28] =	ssyncset.done $0x0  }
.LBB2_2:
0x42: {  	s9 =	sand.u32 $0x7C00, s31  }
0x43: {  	[sflag:s28] =	ssyncadd.s32 $0xFFFFCE00;
	s11 =	smov.u32 s30;
	s7 =	sadd.s32 $0x100, s30  }
0x44: {  	p0 =	sne.s32 s30, $0x3180;
	s30 =	sand.u32 $0x300, s31;
	s9 =	sadd.s32 s6, s9  }
0x45: {  	_ =	swait.ge [sflag:s24], $0x3200;
	s9 =	sor.u32 s30, s9  }
0x46: {  	[sflag:s24] =	ssyncset.done $0x0;
	s9 =	sshrl.u32 s9, $0x3  }
0x47: {  	[sflag:s24] =	ssyncadd.s32 $0xFFFFCE00;
	s9 =	sadd.s32 s5, s9  }
0x48: {  	[tilespmem:s17], [sflag:$0x1] =	stream.linear.gather [hbm4b:s9+s4], $0x80, $0x38;
	[tilespmem:$0x1DD00] =	vst v63  }
0x49: {  	_ =	swait.ge [sflag:s25], $0x80  }
0x4a: {  	[sflag:s25] =	ssyncset.done $0x0  }
0x4b: {  	[sflag:s25] =	ssyncadd.s32 $0xFFFFFF80  }
0x4c: {  	[tilespmem:s26], [sflag:$0x4] =	stream.indirect.gather [hbm4b:s1+s20], $0x80, s18, s20, $0xb8;
	[tilespmem:$0x1DD00] =	vst v63  }
0x4d: {  	s9 =	sadd.s32 $0xFFFFFF80, s3  }
0x4e: {  	[spmem:s2] =	stream.indirect.scatter.add.f32 [tilespmem:s21], [sflag:$0x7], $0x80, s9, s20, $0xb8;
	[tilespmem:$0x1DD00] =	vst v63  }
0x4f: {  	_ =	swait.ge [sflag:s28], $0x3200  }
0x50: {  	s9 =	sand.u32 $0x7C00, s16;
	[sflag:s28] =	ssyncset.done $0x0  }
0x51: {  	s16 =	sand.u32 $0x380, s16;
	s9 =	sadd.s32 s6, s9;
	[sflag:s28] =	ssyncadd.s32 $0xFFFFCE00  }
0x52: {  	s9 =	sor.u32 s16, s9;
	s16 =	smov.u32 s11;
	_ =	swait.ge [sflag:s29], $0x3200  }
0x53: {  	s9 =	sshrl.u32 s9, $0x3;
	[sflag:s29] =	ssyncset.done $0x0  }
0x54: {  	s9 =	sadd.s32 s5, s9;
	[sflag:s29] =	ssyncadd.s32 $0xFFFFCE00  }
0x55: {  	[tilespmem:s18], [sflag:$0x2] =	stream.linear.gather [hbm4b:s9+s4], $0x80, $0x38;
	[tilespmem:$0x1DD00] =	vst v63  }
0x56: {  	_ =	swait.ge [sflag:s19], $0x80  }
0x57: {  	[sflag:s19] =	ssyncset.done $0x0  }
0x58: {  	[sflag:s19] =	ssyncadd.s32 $0xFFFFFF80  }
0x59: {  	[tilespmem:s21], [sflag:$0x3] =	stream.indirect.gather [hbm4b:s1+s20], $0x80, s17, s20, $0xb8;
	[tilespmem:$0x1DD00] =	vst v63  }
.Ltmp0:
0x5a: {  	_ = 	snop;
	(pc) =	sbr.rel @p0 .LBB2_2-.Ltmp0, $4  }
0x5b: {  	_ = 	snop  }
0x5c: {  	[spmem:s2] =	stream.indirect.scatter.add.f32 [tilespmem:s26], [sflag:$0x7], $0x80, s3, s20, $0xb8;
	[tilespmem:$0x1DD00] =	vst v63  }
0x5d: {  	s30 =	smov.u32 s7;
	_ =	swait.ge [sflag:s28], $0x3200  }
0x5e: {  	s31 =	sadd.s32 $0xFFFFFF80, s16;
	s3 =	sadd.s32 $0x100, s3;
	[sflag:s28] =	ssyncset.done $0x0  }
0x5f: {  	s7 =	sand.u32 $0x7C00, s31  }
0x60: {  	[sflag:s28] =	ssyncadd.s32 $0xFFFFCE00;
	s9 =	sand.u32 $0x300, s31;
	s7 =	sadd.s32 s6, s7  }
0x61: {  	_ =	swait.ge [sflag:s24], $0x3200;
	s7 =	sor.u32 s9, s7  }
0x62: {  	[sflag:s24] =	ssyncset.done $0x0;
	s7 =	sshrl.u32 s7, $0x3  }
0x63: {  	[sflag:s24] =	ssyncadd.s32 $0xFFFFCE00;
	s7 =	sadd.s32 s5, s7  }
0x64: {  	[tilespmem:s17], [sflag:$0x1] =	stream.linear.gather [hbm4b:s7+s4], $0x80, $0x38;
	[tilespmem:$0x1DD00] =	vst v63  }
0x65: {  	_ =	swait.ge [sflag:s25], $0x80  }
0x66: {  	[sflag:s25] =	ssyncset.done $0x0  }
0x67: {  	[sflag:s25] =	ssyncadd.s32 $0xFFFFFF80  }
0x68: {  	[tilespmem:s26], [sflag:$0x4] =	stream.indirect.gather [hbm4b:s1+s20], $0x80, s18, s20, $0xb8;
	[tilespmem:$0x1DD00] =	vst v63  }
0x69: {  	s31 =	sadd.s32 $0xFFFFFF80, s3  }
0x6a: {  	[spmem:s2] =	stream.indirect.scatter.add.f32 [tilespmem:s21], [sflag:$0x7], $0x80, s31, s20, $0xb8;
	[tilespmem:$0x1DD00] =	vst v63  }
0x6b: {  	_ =	swait.ge [sflag:s28], $0x3200  }
0x6c: {  	s9 =	sand.u32 $0x7C00, s16;
	[sflag:s28] =	ssyncset.done $0x0  }
0x6d: {  	s11 =	sand.u32 $0x380, s16;
	s7 =	sadd.s32 s6, s9;
	[sflag:s28] =	ssyncadd.s32 $0xFFFFCE00  }
0x6e: {  	s7 =	sor.u32 s11, s7;
	_ =	swait.ge [sflag:s29], $0x3200  }
0x6f: {  	s7 =	sshrl.u32 s7, $0x3;
	[sflag:s29] =	ssyncset.done $0x0  }
0x70: {  	s7 =	sadd.s32 s5, s7;
	[sflag:s29] =	ssyncadd.s32 $0xFFFFCE00  }
0x71: {  	[tilespmem:s18], [sflag:$0x2] =	stream.linear.gather [hbm4b:s7+s4], $0x80, $0x38;
	[tilespmem:$0x1DD00] =	vst v63  }
0x72: {  	_ =	swait.ge [sflag:s19], $0x80  }
0x73: {  	[sflag:s19] =	ssyncset.done $0x0  }
0x74: {  	[sflag:s19] =	ssyncadd.s32 $0xFFFFFF80  }
0x75: {  	[tilespmem:s21], [sflag:$0x3] =	stream.indirect.gather [hbm4b:s1+s20], $0x80, s17, s20, $0xb8;
	[tilespmem:$0x1DD00] =	vst v63  }
0x76: {  	_ = 	snop  }
0x77: {  	[spmem:s2] =	stream.indirect.scatter.add.f32 [tilespmem:s26], [sflag:$0x7], $0x80, s3, s20, $0xb8;
	[tilespmem:$0x1DD00] =	vst v63  }
0x78: {  	_ =	swait.ge [sflag:s28], $0x3200  }
0x79: {  	[sflag:s28] =	ssyncset.done $0x0  }
0x7a: {  	[sflag:s28] =	ssyncadd.s32 $0xFFFFCE00  }
0x7b: {  	_ =	swait.ge [sflag:s24], $0x3200  }
0x7c: {  	[sflag:s24] =	ssyncset.done $0x0  }
0x7d: {  	[sflag:s24] =	ssyncadd.s32 $0xFFFFCE00  }
0x7e: {  	_ =	swait.ge [sflag:s25], $0x80  }
0x7f: {  	[sflag:s25] =	ssyncset.done $0x0  }
0x80: {  	[sflag:s25] =	ssyncadd.s32 $0xFFFFFF80  }
0x81: {  	[tilespmem:s26], [sflag:$0x4] =	stream.indirect.gather [hbm4b:s1+s20], $0x80, s18, s20, $0xb8;
	[tilespmem:$0x1DD00] =	vst v63  }
0x82: {  	s16 =	simm.s32 $0x17100  }
0x83: {  	[spmem:s2] =	stream.indirect.scatter.add.f32 [tilespmem:s21], [sflag:$0x7], $0x80, s16, s20, $0xb8;
	[tilespmem:$0x1DD00] =	vst v63  }
0x84: {  	_ =	swait.ge [sflag:s28], $0x3200  }
0x85: {  	[sflag:s28] =	ssyncset.done $0x0  }
0x86: {  	[sflag:s28] =	ssyncadd.s32 $0xFFFFCE00  }
0x87: {  	_ =	swait.ge [sflag:s29], $0x3200  }
0x88: {  	[sflag:s29] =	ssyncset.done $0x0  }
0x89: {  	s30 =	simm.s32 $0x17180;
	[sflag:s29] =	ssyncadd.s32 $0xFFFFCE00  }
0x8a: {  	[spmem:s2] =	stream.indirect.scatter.add.f32 [tilespmem:s26], [sflag:$0x7], $0x80, s30, s20, $0xb8;
	[tilespmem:$0x1DD00] =	vst v63  }
0x8b: {  	_ =	swait.ge [sflag:s28], $0x3200  }
0x8c: {  	s0 =	sadd.s32 $0x1, s0;
	[sflag:s28] =	ssyncset.done $0x0  }
0x8d: {  	p0 =	sne.s32 s0, s14;
	[sflag:s28] =	ssyncadd.s32 $0xFFFFCE00  }
.Ltmp1:
0x8e: {  	s31 =	sor.u32 $0x1C07, s8;
	[bflag:$0x0] =	sbarrier.arrive $0xFFFF;
	(pc) =	sbr.rel @p0 .LBB2_1-.Ltmp1, $4  }
0x8f: {  	[hbm:s13], [sflag:s31] =	dma.local [spmem:s15], $0x2800  }
0x90: {  	_ =	swait.ge [sflag:s28], $0x2800  }
0x91: {  	[sflag:s28] =	ssyncset.done $0x0  }
0x92: {  	[sflag:s28] =	ssyncadd.s32 $0xFFFFD800  }
0x93: {  	_ =	sfence.sel $0x180000  }
0x94: {  	[bflag:$0x0] =	sbarrier.arrive $0xFFFF  }
0x95: {  	_ =	strace $0x9000004A  }
0x96: {  	s0 =	stileid.u32;
	[bflag:$0x2] =	sbarrier.arrive $0xFFFF  }
0x97: {  	p0 =	sne.s32 s0, $0x0;
	s0 =	rddreg [dreg:$0x4]  }
0x98: {  	s0 =	sadd.s32 @!p0 $0x100000, s0  }
0x99: {  	[sflag:s0] =	ssyncadd.tile.s32 @!p0 $0x1;
	_ =	shalt  }
.Lfunc_end2:
_tile_overlayer_lowered:
.L_overlay_start_2:
0x9a: {  	(tag) =	ssettag $0x2  }
0x9b: {  	s0 =	rddreg [dreg:$0x0];
	s2 =	stileid.u32  }
0x9c: {  	s1 =	rddreg [dreg:$0x1];
	p0 =	sne.s32 s2, $0x0  }
0x9d: {  	s3 =	rddreg [dreg:$0x2];
	[bflag:$0x3] =	sbarrier.arrive $0xFFFF;
	s2 =	simm.s32 @!p0 $0x1C07  }
0x9e: {  	[timem:s3], [sflag:s2] =	dma.local @!p0 [hbm:s0], s1  }
0x9f: {  	s0 =	simm.s32 @!p0 $0x7  }
0xa0: {  	_ =	swait.ge @!p0 [sflag:s0], s1  }
0xa1: {  	s1 =	ssub.s32 @!p0 $0x0, s1;
	[sflag:s0] =	ssyncset.done @!p0 $0x0  }
0xa2: {  	[sflag:s0] =	ssyncadd.s32 @!p0 s1  }
0xa3: {  	[bflag:$0x3] =	sbarrier.arrive $0xFFFF  }
0xa4: {  	_ =	shalt  }

// kernel: kernel.15.cloned.1.call-start
scs
__scs_entry_jumppad:
0x0: {  	(pc) =	sbr.rel $0x88, $3  }
0x1: {  	(tag) =	ssettag $0x0;
	lr =	simm.s32 $0x1  }
0x2: {  	[smem:$0x3F9B] =	sst lr;
	_ =	strace $0xD0000000  }
0x3: {  	_ = 	snop  }
0x4: {  	_ = 	snop  }
0x5: {  	_ = 	snop  }
0x6: {  	_ = 	snop  }
0x7: {  	_ = 	snop  }
__scs_overlays_trampoline_lowered:
0x8: {  	[smem:$0x3FAA] =	sst s0  }
0x9: {  	[smem:$0x3FAB] =	sst s1  }
0xa: {  	[smem:$0x3FAC] =	sst s2  }
0xb: {  	[smem:$0x3FAD] =	sst s3  }
0xc: {  	[smem:$0x3FAE] =	sst s4  }
0xd: {  	[smem:$0x3FAF] =	sst s5  }
0xe: {  	[smem:$0x3FB0] =	sst s6  }
0xf: {  	[smem:$0x3FB1] =	sst s7  }
0x10: {  	[smem:$0x3FB2] =	sst s8  }
0x11: {  	[smem:$0x3FB3] =	sst s9;
	s0 =	simm.s32 @!p0 $0x0  }
0x12: {  	s1 =	sld [smem:$0x3F99];
	s0 =	simm.s32 @p0 $0x1  }
0x13: {  	[smem:$0x3FB4] =	sst s0;
	s0 =	simm.s32 @!p1 $0x0  }
0x14: {  	s2 =	sld [smem:$0x3F98];
	s0 =	simm.s32 @p1 $0x1  }
0x15: {  	[smem:$0x3FB5] =	sst s0;
	s0 =	simm.s32 @!p2 $0x0  }
0x16: {  	s3 =	sld [smem:$0x3FDB];
	s0 =	simm.s32 @p2 $0x1  }
0x17: {  	s4 =	simm.s32 $0x1BF5;
	[smem:$0x3FB7] =	sst s0  }
0x18: {  	s0 =	sld [smem:$0x3F9A];
	_ =	swait.ge [sflag:s4], $0x0  }
0x19: {  	s7 =	sld [smem:$0x3F9B]  }
0x1a: {  	s8 =	sadd.s32 $0xFFFFE003, lr  }
0x1b: {  	s9 =	sadd.s32 $0xFFFFFEF7, lr;
	s5 =	simm.s32 $0xFFFFFFFF;
	p2 =	slt.u32 s8, $0xFFFFF086  }
0x1c: {  	p1 =	slt.u32 s9, $0xF7A;
	s5 =	simm.s32 @!p2 $0x0  }
0x1d: {  	s5 =	simm.s32 @p1 $0x1;
	p0 =	seq.s32 s7, s2  }
0x1e: {  	s7 =	smul.u32 @!p0 $0xF7A, s2;
	p2 =	seq.s32 @!p0 s5, $0x0  }
0x1f: {  	s9 =	smul.u32 $0xF7A, s1;
	s8 =	simm.s32 @!p0 $0x1BF5;
	p2 =	por !p2, p0  }
0x20: {  	[sflag:s8] =	ssyncset.s32 @!p0 $0xFFFFF086;
	s6 =	sadd.s32 @!p0 s3, s7;
	s7 =	simm.s32 @!p0 $0x108  }
0x21: {  	s3 =	sadd.s32 s3, s9;
	s6 =	sadd.s32 @!p0 $0x88, s6;
	s7 =	simm.s32 @p2 $0x1082  }
0x22: {  	[simem:s7], [sflag:s8] =	dma.local @!p0 [hbm:s6], $0xF7A  }
0x23: {  	s9 =	sor.u32 $0xD0000000, s2;
	s6 =	simm.s32 $0x108;
	_ =	swait.ge @!p0 [sflag:s8], $0x0  }
0x24: {  	s3 =	sadd.s32 $0x88, s3;
	s6 =	simm.s32 @!p1 $0x1082;
	[sflag:s4] =	ssyncset.s32 $0xFFFFF086  }
0x25: {  	[simem:s6], [sflag:s4] =	dma.local [hbm:s3], $0xF7A  }
0x26: {  	[smem:$0x3F9B] =	sst s1;
	(tag) =	ssettag s2;
	_ =	strace s9  }
0x27: {  	s1 =	sld [smem:$0x3FAB]  }
0x28: {  	s2 =	sld [smem:$0x3FAC]  }
0x29: {  	s4 =	sld [smem:$0x3FAE]  }
0x2a: {  	p0 =	seq.s32 s5, $0x0;
	s5 =	sld [smem:$0x3FAF]  }
0x2b: {  	s6 =	sld [smem:$0x3FB0]  }
0x2c: {  	s7 =	sld [smem:$0x3FB1]  }
0x2d: {  	s3 =	simm.s32 $0x108;
	s8 =	sld [smem:$0x3FB2]  }
0x2e: {  	s3 =	simm.s32 @!p0 $0x1082;
	s9 =	sld [smem:$0x3FB3]  }
0x2f: {  	lr =	sadd.s32 s0, s3;
	s0 =	sld [smem:$0x3FAA]  }
0x30: {  	s3 =	sld [smem:$0x3FAD]  }
0x31: {  	[smem:$0x3FB6] =	sst s10  }
0x32: {  	s10 =	sld [smem:$0x3FB4];
	_ =	sdelay $0x3  }
0x33: {  	p0 =	seq.s32 s10, $0x1;
	s10 =	sld [smem:$0x3FB6];
	_ =	sdelay $0x3  }
0x34: {  	[smem:$0x3FB6] =	sst s10  }
0x35: {  	s10 =	sld [smem:$0x3FB5];
	_ =	sdelay $0x3  }
0x36: {  	p1 =	seq.s32 s10, $0x1;
	s10 =	sld [smem:$0x3FB6];
	_ =	sdelay $0x3  }
0x37: {  	[smem:$0x3FB6] =	sst s10  }
0x38: {  	s10 =	sld [smem:$0x3FB7]  }
0x39: {  	_ = 	snop;
	(pc) =	sbr.ind lr, $3  }
0x3a: {  	_ = 	snop  }
0x3b: {  	_ = 	snop  }
0x3c: {  	p2 =	seq.s32 s10, $0x1;
	s10 =	sld [smem:$0x3FB6]  }
0x3d: {  	_ =	shalt  }
0x3e: {  	_ =	shalt  }
0x3f: {  	_ =	shalt  }
0x40: {  	_ =	shalt  }
0x41: {  	_ =	shalt  }
0x42: {  	_ =	shalt  }
0x43: {  	_ =	shalt  }
0x44: {  	_ =	shalt  }
0x45: {  	_ =	shalt  }
0x46: {  	_ =	shalt  }
0x47: {  	_ =	shalt  }
0x48: {  	_ =	shalt  }
0x49: {  	_ =	shalt  }
0x4a: {  	_ =	shalt  }
0x4b: {  	_ =	shalt  }
0x4c: {  	_ =	shalt  }
0x4d: {  	_ =	shalt  }
0x4e: {  	_ =	shalt  }
0x4f: {  	_ =	shalt  }
0x50: {  	_ =	shalt  }
0x51: {  	_ =	shalt  }
0x52: {  	_ =	shalt  }
0x53: {  	_ =	shalt  }
0x54: {  	_ =	shalt  }
0x55: {  	_ =	shalt  }
0x56: {  	_ =	shalt  }
0x57: {  	_ =	shalt  }
0x58: {  	_ =	shalt  }
0x59: {  	_ =	shalt  }
0x5a: {  	_ =	shalt  }
0x5b: {  	_ =	shalt  }
0x5c: {  	_ =	shalt  }
0x5d: {  	_ =	shalt  }
0x5e: {  	_ =	shalt  }
0x5f: {  	_ =	shalt  }
0x60: {  	_ =	shalt  }
0x61: {  	_ =	shalt  }
0x62: {  	_ =	shalt  }
0x63: {  	_ =	shalt  }
0x64: {  	_ =	shalt  }
0x65: {  	_ =	shalt  }
0x66: {  	_ =	shalt  }
0x67: {  	_ =	shalt  }
0x68: {  	_ =	shalt  }
0x69: {  	_ =	shalt  }
0x6a: {  	_ =	shalt  }
0x6b: {  	_ =	shalt  }
0x6c: {  	_ =	shalt  }
0x6d: {  	_ =	shalt  }
0x6e: {  	_ =	shalt  }
0x6f: {  	_ =	shalt  }
0x70: {  	_ =	shalt  }
0x71: {  	_ =	shalt  }
0x72: {  	_ =	shalt  }
0x73: {  	_ =	shalt  }
0x74: {  	_ =	shalt  }
0x75: {  	_ =	shalt  }
0x76: {  	_ =	shalt  }
0x77: {  	_ =	shalt  }
0x78: {  	_ =	shalt  }
0x79: {  	_ =	shalt  }
0x7a: {  	_ =	shalt  }
0x7b: {  	_ =	shalt  }
0x7c: {  	_ =	shalt  }
0x7d: {  	_ =	shalt  }
0x7e: {  	_ =	shalt  }
0x7f: {  	_ =	shalt  }
0x80: {  	_ =	shalt  }
0x81: {  	_ =	shalt  }
0x82: {  	_ =	shalt  }
0x83: {  	_ =	shalt  }
0x84: {  	_ =	shalt  }
0x85: {  	_ =	shalt  }
0x86: {  	_ =	shalt  }
0x87: {  	_ =	shalt  }
.Lfunc_end0:
.L_simem_size_0:
called_computation.2_lowered:
.L_overlay_start_0:
0x88: {  	s2 =	sld [smem:$0x3FD9]  }
0x89: {  	s3 =	sld [smem:$0x3FFE];
	_ =	sdelay $0x1  }
0x8a: {  	s1 =	srdreg.scid  }
0x8b: {  	s0 =	sand.u32 $0x1, s1  }
0x8c: {  	s14 =	sshll.u32 s0, $0xA;
	s2 =	sadd.s32 s3, s2  }
0x8d: {  	s2 =	sadd.s32 s2, s14  }
0x8e: {  	[smem:$0x3FC2] =	sst s2  }
0x8f: {  	_ = 	snop  }
0x90: {  	s2 =	sld [smem:$0x3FD0];
	_ =	sdelay $0x2  }
0x91: {  	s15 =	simm.s32 $0xA;
	s4 =	simm.s32 $0x10  }
0x92: {  	[smem:s4], [sflag:s15] =	dma.local [hbm:s2], $0x1  }
0x93: {  	_ =	swait.eq [sflag:s15], $0x1  }
0x94: {  	[sflag:s15] =	ssyncset.done $0x0  }
0x95: {  	s16 =	sld [smem:$0x10];
	[sflag:s15] =	ssyncadd.s32 $0xFFFFFFFF  }
0x96: {  	s17 =	sld [smem:$0x11];
	(tm) =	ssettm $0x1  }
0x97: {  	s18 =	sld [smem:$0x3FFB];
	_ =	sdelay $0x3  }
0x98: {  	_ =	strace s18  }
0x99: {  	s4 =	sld [smem:$0x3FFC];
	_ =	sdelay $0x3  }
0x9a: {  	_ =	strace s4  }
0x9b: {  	s4 =	sld [smem:$0x3FFD];
	_ =	sdelay $0x3  }
0x9c: {  	_ =	strace s4  }
0x9d: {  	_ =	strace $0x8FFFFFFF  }
0x9e: {  	s19 =	sld [smem:$0x3FDB];
	_ =	sdelay $0x1  }
0x9f: {  	s5 =	simm.s32 $_scs_section_size  }
0xa0: {  	s6 =	simm.s32 $_size__tile_overlayer_lowered;
	s7 =	simm.s32 $_tile_overlayer_lowered  }
0xa1: {  	s22 =	simm.s32 $0x1BFF;
	s21 =	sshll.u32 s7, $0x1;
	s4 =	sadd.s32 s5, s19  }
0xa2: {  	s8 =	simm.s32 $0x0;
	s20 =	sshll.u32 s6, $0x1;
	s6 =	sadd.s32 s21, s4  }
0xa3: {  	[timem:s8], [sflag:s22] =	dma.local [hbm:s6], s20  }
0xa4: {  	_ =	swait.ge [sflag:s22], s20  }
0xa5: {  	s5 =	ssub.s32 $0x0, s20;
	[sflag:s22] =	ssyncset.done $0x0  }
0xa6: {  	[sflag:s22] =	ssyncadd.s32 s5;
	_ =	sdelay $0x1  }
0xa7: {  	s23 =	simm.s32 $0x1B8B  }
0xa8: {  	_ =	swait.ge [sflag:s23], $0x1  }
0xa9: {  	[sflag:s23] =	ssyncset.done $0x0  }
0xaa: {  	s25 =	simm.s32 $0x1B8E;
	s24 =	sld [smem:$0x3FFE];
	[sflag:s23] =	ssyncadd.s32 $0xFFFFFFFF  }
0xab: {  	s26 =	simm.s32 $execute0_lowered;
	[smem:$0x3FD2] =	sst s25  }
0xac: {  	s6 =	sshll.u32 s26, $0x1;
	_ =	strace $0x8000004C;
	[dreg:$0x1] =	wrdreg $0xFFFFFFFF  }
0xad: {  	s28 =	simm.s32 $_size_execute0_lowered;
	s4 =	sadd.s32 s4, s6;
	[dreg:$0x0] =	wrdreg $0x0  }
0xae: {  	s6 =	sshll.u32 s28, $0x1;
	[dreg:$0x2] =	wrdreg s4  }
0xaf: {  	[dreg:$0x3] =	wrdreg s6  }
0xb0: {  	[dreg:$0x4] =	wrdreg $0xC0  }
0xb1: {  	_ =	task [dreg:s8], $0x5FFFF  }
0xb2: {  	[dreg:$0x1] =	wrdreg $0xFFFFFFFF  }
0xb3: {  	[dreg:$0x0] =	wrdreg $0x60  }
0xb4: {  	[dreg:$0x2] =	wrdreg s17  }
0xb5: {  	[dreg:$0x3] =	wrdreg s24  }
0xb6: {  	[dreg:$0x4] =	wrdreg s16  }
0xb7: {  	[dreg:$0x5] =	wrdreg $0x0  }
0xb8: {  	[dreg:$0x6] =	wrdreg $0x9  }
0xb9: {  	_ =	task.clear_ibuf [dreg:s8], $0x7FFFF;
	_ =	strace $0x9000004C  }
0xba: {  	s29 =	simm.s32 $0x9;
	_ =	strace $0x8000004E  }
0xbb: {  	_ =	swait.ge [sflag:s29], $0x1  }
0xbc: {  	[sflag:s29] =	ssyncadd.s32 $0xFFFFFFFF  }
0xbd: {  	_ =	strace $0x9000004E  }
0xbe: {  	_ =	sfence  }
0xbf: {  	s30 =	sld [smem:$0x0];
	_ =	sdelay $0x2  }
0xc0: {  	s31 =	sshll.u32 s1, $0xD;
	s1 =	sshrl.u32 s1, $0x2  }
0xc1: {  	s3 =	sand.u32 $0x4000, s31;
	s1 =	sadd.s32 s1, s30  }
0xc2: {  	s0 =	sor.u32 s3, s0;
	s1 =	sshll.u32 s1, $0x11  }
0xc3: {  	s0 =	sor.u32 s1, s0  }
0xc4: {  	s0 =	sadd.s32 $0x8F2B, s0  }
0xc5: {  	[sflag:s0] =	ssyncadd.remote.s32 $0x1  }
0xc6: {  	_ =	sfence.sel $0xFFFF  }
0xc7: {  	[dreg:$0x0] =	wrdreg $0xFFFFFFFF;
	(pc) =	sbr.abs _section_cstart, $3  }
0xc8: {  	[dreg:$0x1] =	wrdreg $0xFFFFFFFF  }
0xc9: {  	_ =	task.clear_ibuf [dreg:s8], $0x2FFFF;
	_ =	strace $0x9FFFFFFF  }
0xca: {  	(tm) =	ssettm $0x7FFFFFFF  }
0xcb: {  	_ =	shalt  }
tec
execute0_lowered:
.L_overlay_start_1:
0x0: {  	(tag) =	ssettag $0x1  }
0x1: {  	s1 =	rddreg [dreg:$0x0]  }
0x2: {  	s0 =	rddreg [dreg:$0x1]  }
0x3: {  	s3 =	rddreg [dreg:$0x2]  }
0x4: {  	s2 =	rddreg [dreg:$0x3]  }
0x5: {  	s4 =	srdreg.scid;
	s11 =	stileid.u32  }
0x6: {  	s17 =	simm.s32 $0x17400;
	s18 =	simm.s32 $0x17480;
	s19 =	simm.s32 $0x1  }
0x7: {  	s20 =	simm.s32 $0x64;
	s21 =	simm.s32 $0x17500;
	s22 =	simm.s32 $0x5  }
0x8: {  	s28 =	simm.s32 $0x7;
	s29 =	simm.s32 $0x4;
	s6 =	sand.u32 $0x1, s4  }
0x9: {  	s4 =	simm.s32 $0x0;
	s8 =	smul.u32 $0x14000, s11;
	s5 =	sadd.s32 $0x2800, s0  }
0xa: {  	s23 =	sshll.u32 s11, $0x1;
	s24 =	smul.u32 $0x50000, s11;
	s12 =	sadd.s32 $0xF800, s0  }
0xb: {  	s7 =	smul.u32 $0x140000, s6;
	[smem:$0x7FF] =	sst s4;
	s9 =	ssub.s32 $0x2, s6  }
0xc: {  	s6 =	sor.u32 s6, s23;
	s23 =	simm.s32 $0x6;
	_ =	strace $0x8000004D  }
0xd: {  	s10 =	sshrl.u32 s9, $0x1;
	s6 =	smul.u32 $0x3400, s6;
	[dreg:$0x5] =	wrdreg s12  }
0xe: {  	s26 =	sshrl.u32 s24, $0x2;
	s24 =	simm.s32 $0x3;
	s7 =	sadd.s32 s8, s7  }
0xf: {  	s25 =	ssub.s32 s9, s10;
	s8 =	sshll.u32 s11, $0x6;
	s15 =	sadd.s32 s26, s2  }
0x10: {  	s26 =	simm.s32 $0x1A900;
	s7 =	sshrl.u32 s7, $0x3;
	s30 =	sshrl.u32 s6, $0x3  }
0x11: {  	s31 =	sor.u32 $0x1C05, s8;
	s14 =	smax.u32 s25, $0x1;
	s15 =	sshrl.u32 s15, $0x3  }
0x12: {  	s25 =	simm.s32 $0x2;
	[dreg:$0x6] =	wrdreg s31;
	s3 =	sadd.s32 s3, s30  }
0x13: {  	s0 =	sadd.s32 s7, s0;
	s10 =	sadd.s32 s5, s30;
	[dreg:$0x7] =	wrdreg s3  }
0x14: {  	s12 =	sadd.s32 $0x10, s10;
	s13 =	sadd.s32 $0x12000, s0;
	s0 =	simm.s32 $0x0  }
.LBB2_1:
0x15: {  	s3 =	rddreg [dreg:$0x5]  }
0x16: {  	s7 =	rddreg [dreg:$0x6]  }
0x17: {  	[spmem:s15], [sflag:s7] =	dma.local [hbm:s3], $0x2800  }
0x18: {  	s9 =	simm.s32 $0x14000;
	s3 =	rddreg [dreg:$0x7]  }
0x19: {  	[tilespmem:s9], [sflag:$0x6] =	stream.linear.gather [hbm4b:s3+s4], $0x3200, $0x38;
	[tilespmem:$0x1DD00] =	vst v63  }
0x1a: {  	_ = 	snop  }
0x1b: {  	[tilespmem:s17], [sflag:$0x1] =	stream.linear.gather [hbm4b:s10+s4], $0x80, $0x38;
	[tilespmem:$0x1DD00] =	vst v63  }
0x1c: {  	_ = 	snop  }
0x1d: {  	[tilespmem:s18], [sflag:$0x2] =	stream.linear.gather [hbm4b:s12+s4], $0x80, $0x38;
	[tilespmem:$0x1DD00] =	vst v63  }
0x1e: {  	_ =	swait.ge [sflag:s19], $0x80  }
0x1f: {  	[sflag:s19] =	ssyncset.done $0x0  }
0x20: {  	[sflag:s19] =	ssyncadd.s32 $0xFFFFFF80  }
0x21: {  	[tilespmem:s21], [sflag:$0x3] =	stream.indirect.gather [hbm4b:s1+s20], $0x80, s17, s20, $0xb8;
	[tilespmem:$0x1DD00] =	vst v63  }
0x22: {  	_ =	swait.ge [sflag:s22], $0x2800  }
0x23: {  	[sflag:s22] =	ssyncset.done $0x0  }
0x24: {  	[sflag:s22] =	ssyncadd.s32 $0xFFFFD800  }
0x25: {  	_ =	swait.ge [sflag:s23], $0x3200  }
0x26: {  	s11 =	simm.s32 $0x100;
	[sflag:s23] =	ssyncset.done $0x0  }
0x27: {  	s16 =	sand.u32 $0x7C00, s11;
	[sflag:s23] =	ssyncadd.s32 $0xFFFFCE00  }
0x28: {  	s7 =	sadd.s32 s6, s16;
	s3 =	sand.u32 $0x300, s11;
	[bflag:$0x0] =	sbarrier.arrive $0xFFFF  }
0x29: {  	s3 =	sor.u32 s3, s7;
	_ =	swait.ge [sflag:s24], $0x3200  }
0x2a: {  	s3 =	sshrl.u32 s3, $0x3;
	[sflag:s24] =	ssyncset.done $0x0  }
0x2b: {  	s3 =	sadd.s32 s5, s3;
	[sflag:s24] =	ssyncadd.s32 $0xFFFFCE00  }
0x2c: {  	[tilespmem:s17], [sflag:$0x1] =	stream.linear.gather [hbm4b:s3+s4], $0x80, $0x38;
	[tilespmem:$0x1DD00] =	vst v63  }
0x2d: {  	_ =	swait.ge [sflag:s25], $0x80  }
0x2e: {  	[sflag:s25] =	ssyncset.done $0x0  }
0x2f: {  	[sflag:s25] =	ssyncadd.s32 $0xFFFFFF80  }
0x30: {  	[tilespmem:s26], [sflag:$0x4] =	stream.indirect.gather [hbm4b:s1+s20], $0x80, s18, s20, $0xb8;
	[tilespmem:$0x1DD00] =	vst v63  }
0x31: {  	s7 =	simm.s32 $0x14000  }
0x32: {  	[spmem:s2] =	stream.indirect.scatter.add.f32 [tilespmem:s21], [sflag:$0x7], $0x80, s7, s20, $0xb8;
	[tilespmem:$0x1DD00] =	vst v63  }
0x33: {  	s9 =	simm.s32 $0x180;
	_ =	swait.ge [sflag:s28], $0x3200  }
0x34: {  	s11 =	sand.u32 $0x7C00, s9;
	[sflag:s28] =	ssyncset.done $0x0  }
0x35: {  	s3 =	sand.u32 $0x380, s9;
	s7 =	sadd.s32 s6, s11;
	[sflag:s28] =	ssyncadd.s32 $0xFFFFCE00  }
0x36: {  	s3 =	sor.u32 s3, s7;
	_ =	swait.ge [sflag:s29], $0x3200  }
0x37: {  	s3 =	sshrl.u32 s3, $0x3;
	[sflag:s29] =	ssyncset.done $0x0  }
0x38: {  	s3 =	sadd.s32 s5, s3;
	[sflag:s29] =	ssyncadd.s32 $0xFFFFCE00  }
0x39: {  	[tilespmem:s18], [sflag:$0x2] =	stream.linear.gather [hbm4b:s3+s4], $0x80, $0x38;
	[tilespmem:$0x1DD00] =	vst v63  }
0x3a: {  	_ =	swait.ge [sflag:s19], $0x80  }
0x3b: {  	[sflag:s19] =	ssyncset.done $0x0  }
0x3c: {  	[sflag:s19] =	ssyncadd.s32 $0xFFFFFF80  }
0x3d: {  	[tilespmem:s21], [sflag:$0x3] =	stream.indirect.gather [hbm4b:s1+s20], $0x80, s17, s20, $0xb8;
	[tilespmem:$0x1DD00] =	vst v63  }
0x3e: {  	s16 =	simm.s32 $0x14080  }
0x3f: {  	[spmem:s2] =	stream.indirect.scatter.add.f32 [tilespmem:s26], [sflag:$0x7], $0x80, s16, s20, $0xb8;
	[tilespmem:$0x1DD00] =	vst v63  }
0x40: {  	s30 =	simm.s32 $0x380;
	s31 =	simm.s32 $0x200;
	_ =	swait.ge [sflag:s28], $0x3200  }
0x41: {  	s3 =	simm.s32 $0x14180;
	s16 =	simm.s32 $0x280;
	[sflag:s28] =	ssyncset.done $0x0  }
.LBB2_2:
0x42: {  	s9 =	sand.u32 $0x7C00, s31  }
0x43: {  	[sflag:s28] =	ssyncadd.s32 $0xFFFFCE00;
	s11 =	smov.u32 s30;
	s7 =	sadd.s32 $0x100, s30  }
0x44: {  	p0 =	sne.s32 s30, $0x3180;
	s30 =	sand.u32 $0x300, s31;
	s9 =	sadd.s32 s6, s9  }
0x45: {  	_ =	swait.ge [sflag:s24], $0x3200;
	s9 =	sor.u32 s30, s9  }
0x46: {  	[sflag:s24] =	ssyncset.done $0x0;
	s9 =	sshrl.u32 s9, $0x3  }
0x47: {  	[sflag:s24] =	ssyncadd.s32 $0xFFFFCE00;
	s9 =	sadd.s32 s5, s9  }
0x48: {  	[tilespmem:s17], [sflag:$0x1] =	stream.linear.gather [hbm4b:s9+s4], $0x80, $0x38;
	[tilespmem:$0x1DD00] =	vst v63  }
0x49: {  	_ =	swait.ge [sflag:s25], $0x80  }
0x4a: {  	[sflag:s25] =	ssyncset.done $0x0  }
0x4b: {  	[sflag:s25] =	ssyncadd.s32 $0xFFFFFF80  }
0x4c: {  	[tilespmem:s26], [sflag:$0x4] =	stream.indirect.gather [hbm4b:s1+s20], $0x80, s18, s20, $0xb8;
	[tilespmem:$0x1DD00] =	vst v63  }
0x4d: {  	s9 =	sadd.s32 $0xFFFFFF80, s3  }
0x4e: {  	[spmem:s2] =	stream.indirect.scatter.add.f32 [tilespmem:s21], [sflag:$0x7], $0x80, s9, s20, $0xb8;
	[tilespmem:$0x1DD00] =	vst v63  }
0x4f: {  	_ =	swait.ge [sflag:s28], $0x3200  }
0x50: {  	s9 =	sand.u32 $0x7C00, s16;
	[sflag:s28] =	ssyncset.done $0x0  }
0x51: {  	s16 =	sand.u32 $0x380, s16;
	s9 =	sadd.s32 s6, s9;
	[sflag:s28] =	ssyncadd.s32 $0xFFFFCE00  }
0x52: {  	s9 =	sor.u32 s16, s9;
	s16 =	smov.u32 s11;
	_ =	swait.ge [sflag:s29], $0x3200  }
0x53: {  	s9 =	sshrl.u32 s9, $0x3;
	[sflag:s29] =	ssyncset.done $0x0  }
0x54: {  	s9 =	sadd.s32 s5, s9;
	[sflag:s29] =	ssyncadd.s32 $0xFFFFCE00  }
0x55: {  	[tilespmem:s18], [sflag:$0x2] =	stream.linear.gather [hbm4b:s9+s4], $0x80, $0x38;
	[tilespmem:$0x1DD00] =	vst v63  }
0x56: {  	_ =	swait.ge [sflag:s19], $0x80  }
0x57: {  	[sflag:s19] =	ssyncset.done $0x0  }
0x58: {  	[sflag:s19] =	ssyncadd.s32 $0xFFFFFF80  }
0x59: {  	[tilespmem:s21], [sflag:$0x3] =	stream.indirect.gather [hbm4b:s1+s20], $0x80, s17, s20, $0xb8;
	[tilespmem:$0x1DD00] =	vst v63  }
.Ltmp0:
0x5a: {  	_ = 	snop;
	(pc) =	sbr.rel @p0 .LBB2_2-.Ltmp0, $4  }
0x5b: {  	_ = 	snop  }
0x5c: {  	[spmem:s2] =	stream.indirect.scatter.add.f32 [tilespmem:s26], [sflag:$0x7], $0x80, s3, s20, $0xb8;
	[tilespmem:$0x1DD00] =	vst v63  }
0x5d: {  	s30 =	smov.u32 s7;
	_ =	swait.ge [sflag:s28], $0x3200  }
0x5e: {  	s31 =	sadd.s32 $0xFFFFFF80, s16;
	s3 =	sadd.s32 $0x100, s3;
	[sflag:s28] =	ssyncset.done $0x0  }
0x5f: {  	s7 =	sand.u32 $0x7C00, s31  }
0x60: {  	[sflag:s28] =	ssyncadd.s32 $0xFFFFCE00;
	s9 =	sand.u32 $0x300, s31;
	s7 =	sadd.s32 s6, s7  }
0x61: {  	_ =	swait.ge [sflag:s24], $0x3200;
	s7 =	sor.u32 s9, s7  }
0x62: {  	[sflag:s24] =	ssyncset.done $0x0;
	s7 =	sshrl.u32 s7, $0x3  }
0x63: {  	[sflag:s24] =	ssyncadd.s32 $0xFFFFCE00;
	s7 =	sadd.s32 s5, s7  }
0x64: {  	[tilespmem:s17], [sflag:$0x1] =	stream.linear.gather [hbm4b:s7+s4], $0x80, $0x38;
	[tilespmem:$0x1DD00] =	vst v63  }
0x65: {  	_ =	swait.ge [sflag:s25], $0x80  }
0x66: {  	[sflag:s25] =	ssyncset.done $0x0  }
0x67: {  	[sflag:s25] =	ssyncadd.s32 $0xFFFFFF80  }
0x68: {  	[tilespmem:s26], [sflag:$0x4] =	stream.indirect.gather [hbm4b:s1+s20], $0x80, s18, s20, $0xb8;
	[tilespmem:$0x1DD00] =	vst v63  }
0x69: {  	s31 =	sadd.s32 $0xFFFFFF80, s3  }
0x6a: {  	[spmem:s2] =	stream.indirect.scatter.add.f32 [tilespmem:s21], [sflag:$0x7], $0x80, s31, s20, $0xb8;
	[tilespmem:$0x1DD00] =	vst v63  }
0x6b: {  	_ =	swait.ge [sflag:s28], $0x3200  }
0x6c: {  	s9 =	sand.u32 $0x7C00, s16;
	[sflag:s28] =	ssyncset.done $0x0  }
0x6d: {  	s11 =	sand.u32 $0x380, s16;
	s7 =	sadd.s32 s6, s9;
	[sflag:s28] =	ssyncadd.s32 $0xFFFFCE00  }
0x6e: {  	s7 =	sor.u32 s11, s7;
	_ =	swait.ge [sflag:s29], $0x3200  }
0x6f: {  	s7 =	sshrl.u32 s7, $0x3;
	[sflag:s29] =	ssyncset.done $0x0  }
0x70: {  	s7 =	sadd.s32 s5, s7;
	[sflag:s29] =	ssyncadd.s32 $0xFFFFCE00  }
0x71: {  	[tilespmem:s18], [sflag:$0x2] =	stream.linear.gather [hbm4b:s7+s4], $0x80, $0x38;
	[tilespmem:$0x1DD00] =	vst v63  }
0x72: {  	_ =	swait.ge [sflag:s19], $0x80  }
0x73: {  	[sflag:s19] =	ssyncset.done $0x0  }
0x74: {  	[sflag:s19] =	ssyncadd.s32 $0xFFFFFF80  }
0x75: {  	[tilespmem:s21], [sflag:$0x3] =	stream.indirect.gather [hbm4b:s1+s20], $0x80, s17, s20, $0xb8;
	[tilespmem:$0x1DD00] =	vst v63  }
0x76: {  	_ = 	snop  }
0x77: {  	[spmem:s2] =	stream.indirect.scatter.add.f32 [tilespmem:s26], [sflag:$0x7], $0x80, s3, s20, $0xb8;
	[tilespmem:$0x1DD00] =	vst v63  }
0x78: {  	_ =	swait.ge [sflag:s28], $0x3200  }
0x79: {  	[sflag:s28] =	ssyncset.done $0x0  }
0x7a: {  	[sflag:s28] =	ssyncadd.s32 $0xFFFFCE00  }
0x7b: {  	_ =	swait.ge [sflag:s24], $0x3200  }
0x7c: {  	[sflag:s24] =	ssyncset.done $0x0  }
0x7d: {  	[sflag:s24] =	ssyncadd.s32 $0xFFFFCE00  }
0x7e: {  	_ =	swait.ge [sflag:s25], $0x80  }
0x7f: {  	[sflag:s25] =	ssyncset.done $0x0  }
0x80: {  	[sflag:s25] =	ssyncadd.s32 $0xFFFFFF80  }
0x81: {  	[tilespmem:s26], [sflag:$0x4] =	stream.indirect.gather [hbm4b:s1+s20], $0x80, s18, s20, $0xb8;
	[tilespmem:$0x1DD00] =	vst v63  }
0x82: {  	s16 =	simm.s32 $0x17100  }
0x83: {  	[spmem:s2] =	stream.indirect.scatter.add.f32 [tilespmem:s21], [sflag:$0x7], $0x80, s16, s20, $0xb8;
	[tilespmem:$0x1DD00] =	vst v63  }
0x84: {  	_ =	swait.ge [sflag:s28], $0x3200  }
0x85: {  	[sflag:s28] =	ssyncset.done $0x0  }
0x86: {  	[sflag:s28] =	ssyncadd.s32 $0xFFFFCE00  }
0x87: {  	_ =	swait.ge [sflag:s29], $0x3200  }
0x88: {  	[sflag:s29] =	ssyncset.done $0x0  }
0x89: {  	s30 =	simm.s32 $0x17180;
	[sflag:s29] =	ssyncadd.s32 $0xFFFFCE00  }
0x8a: {  	[spmem:s2] =	stream.indirect.scatter.add.f32 [tilespmem:s26], [sflag:$0x7], $0x80, s30, s20, $0xb8;
	[tilespmem:$0x1DD00] =	vst v63  }
0x8b: {  	_ =	swait.ge [sflag:s28], $0x3200  }
0x8c: {  	s0 =	sadd.s32 $0x1, s0;
	[sflag:s28] =	ssyncset.done $0x0  }
0x8d: {  	p0 =	sne.s32 s0, s14;
	[sflag:s28] =	ssyncadd.s32 $0xFFFFCE00  }
.Ltmp1:
0x8e: {  	s31 =	sor.u32 $0x1C07, s8;
	[bflag:$0x0] =	sbarrier.arrive $0xFFFF;
	(pc) =	sbr.rel @p0 .LBB2_1-.Ltmp1, $4  }
0x8f: {  	[hbm:s13], [sflag:s31] =	dma.local [spmem:s15], $0x2800  }
0x90: {  	_ =	swait.ge [sflag:s28], $0x2800  }
0x91: {  	[sflag:s28] =	ssyncset.done $0x0  }
0x92: {  	[sflag:s28] =	ssyncadd.s32 $0xFFFFD800  }
0x93: {  	_ =	sfence.sel $0x180000  }
0x94: {  	[bflag:$0x0] =	sbarrier.arrive $0xFFFF  }
0x95: {  	_ =	strace $0x9000004D  }
0x96: {  	s0 =	stileid.u32;
	[bflag:$0x2] =	sbarrier.arrive $0xFFFF  }
0x97: {  	p0 =	sne.s32 s0, $0x0;
	s0 =	rddreg [dreg:$0x4]  }
0x98: {  	s0 =	sadd.s32 @!p0 $0x100000, s0  }
0x99: {  	[sflag:s0] =	ssyncadd.tile.s32 @!p0 $0x1;
	_ =	shalt  }
.Lfunc_end2:
_tile_overlayer_lowered:
.L_overlay_start_2:
0x9a: {  	(tag) =	ssettag $0x2  }
0x9b: {  	s0 =	rddreg [dreg:$0x0];
	s2 =	stileid.u32  }
0x9c: {  	s1 =	rddreg [dreg:$0x1];
	p0 =	sne.s32 s2, $0x0  }
0x9d: {  	s3 =	rddreg [dreg:$0x2];
	[bflag:$0x3] =	sbarrier.arrive $0xFFFF;
	s2 =	simm.s32 @!p0 $0x1C07  }
0x9e: {  	[timem:s3], [sflag:s2] =	dma.local @!p0 [hbm:s0], s1  }
0x9f: {  	s0 =	simm.s32 @!p0 $0x7  }
0xa0: {  	_ =	swait.ge @!p0 [sflag:s0], s1  }
0xa1: {  	s1 =	ssub.s32 @!p0 $0x0, s1;
	[sflag:s0] =	ssyncset.done @!p0 $0x0  }
0xa2: {  	[sflag:s0] =	ssyncadd.s32 @!p0 s1  }
0xa3: {  	[bflag:$0x3] =	sbarrier.arrive $0xFFFF  }
0xa4: {  	_ =	shalt  }

// kernel: kernel.9.cloned.1.call-start
scs
__scs_entry_jumppad:
0x0: {  	(pc) =	sbr.rel $0x88, $3  }
0x1: {  	(tag) =	ssettag $0x0;
	lr =	simm.s32 $0x1  }
0x2: {  	[smem:$0x3F9B] =	sst lr;
	_ =	strace $0xD0000000  }
0x3: {  	_ = 	snop  }
0x4: {  	_ = 	snop  }
0x5: {  	_ = 	snop  }
0x6: {  	_ = 	snop  }
0x7: {  	_ = 	snop  }
__scs_overlays_trampoline_lowered:
0x8: {  	[smem:$0x3FAA] =	sst s0  }
0x9: {  	[smem:$0x3FAB] =	sst s1  }
0xa: {  	[smem:$0x3FAC] =	sst s2  }
0xb: {  	[smem:$0x3FAD] =	sst s3  }
0xc: {  	[smem:$0x3FAE] =	sst s4  }
0xd: {  	[smem:$0x3FAF] =	sst s5  }
0xe: {  	[smem:$0x3FB0] =	sst s6  }
0xf: {  	[smem:$0x3FB1] =	sst s7  }
0x10: {  	[smem:$0x3FB2] =	sst s8  }
0x11: {  	[smem:$0x3FB3] =	sst s9;
	s0 =	simm.s32 @!p0 $0x0  }
0x12: {  	s1 =	sld [smem:$0x3F99];
	s0 =	simm.s32 @p0 $0x1  }
0x13: {  	[smem:$0x3FB4] =	sst s0;
	s0 =	simm.s32 @!p1 $0x0  }
0x14: {  	s2 =	sld [smem:$0x3F98];
	s0 =	simm.s32 @p1 $0x1  }
0x15: {  	[smem:$0x3FB5] =	sst s0;
	s0 =	simm.s32 @!p2 $0x0  }
0x16: {  	s3 =	sld [smem:$0x3FDB];
	s0 =	simm.s32 @p2 $0x1  }
0x17: {  	s4 =	simm.s32 $0x1BF5;
	[smem:$0x3FB7] =	sst s0  }
0x18: {  	s0 =	sld [smem:$0x3F9A];
	_ =	swait.ge [sflag:s4], $0x0  }
0x19: {  	s7 =	sld [smem:$0x3F9B]  }
0x1a: {  	s8 =	sadd.s32 $0xFFFFE003, lr  }
0x1b: {  	s9 =	sadd.s32 $0xFFFFFEF7, lr;
	s5 =	simm.s32 $0xFFFFFFFF;
	p2 =	slt.u32 s8, $0xFFFFF086  }
0x1c: {  	p1 =	slt.u32 s9, $0xF7A;
	s5 =	simm.s32 @!p2 $0x0  }
0x1d: {  	s5 =	simm.s32 @p1 $0x1;
	p0 =	seq.s32 s7, s2  }
0x1e: {  	s7 =	smul.u32 @!p0 $0xF7A, s2;
	p2 =	seq.s32 @!p0 s5, $0x0  }
0x1f: {  	s9 =	smul.u32 $0xF7A, s1;
	s8 =	simm.s32 @!p0 $0x1BF5;
	p2 =	por !p2, p0  }
0x20: {  	[sflag:s8] =	ssyncset.s32 @!p0 $0xFFFFF086;
	s6 =	sadd.s32 @!p0 s3, s7;
	s7 =	simm.s32 @!p0 $0x108  }
0x21: {  	s3 =	sadd.s32 s3, s9;
	s6 =	sadd.s32 @!p0 $0x88, s6;
	s7 =	simm.s32 @p2 $0x1082  }
0x22: {  	[simem:s7], [sflag:s8] =	dma.local @!p0 [hbm:s6], $0xF7A  }
0x23: {  	s9 =	sor.u32 $0xD0000000, s2;
	s6 =	simm.s32 $0x108;
	_ =	swait.ge @!p0 [sflag:s8], $0x0  }
0x24: {  	s3 =	sadd.s32 $0x88, s3;
	s6 =	simm.s32 @!p1 $0x1082;
	[sflag:s4] =	ssyncset.s32 $0xFFFFF086  }
0x25: {  	[simem:s6], [sflag:s4] =	dma.local [hbm:s3], $0xF7A  }
0x26: {  	[smem:$0x3F9B] =	sst s1;
	(tag) =	ssettag s2;
	_ =	strace s9  }
0x27: {  	s1 =	sld [smem:$0x3FAB]  }
0x28: {  	s2 =	sld [smem:$0x3FAC]  }
0x29: {  	s4 =	sld [smem:$0x3FAE]  }
0x2a: {  	p0 =	seq.s32 s5, $0x0;
	s5 =	sld [smem:$0x3FAF]  }
0x2b: {  	s6 =	sld [smem:$0x3FB0]  }
0x2c: {  	s7 =	sld [smem:$0x3FB1]  }
0x2d: {  	s3 =	simm.s32 $0x108;
	s8 =	sld [smem:$0x3FB2]  }
0x2e: {  	s3 =	simm.s32 @!p0 $0x1082;
	s9 =	sld [smem:$0x3FB3]  }
0x2f: {  	lr =	sadd.s32 s0, s3;
	s0 =	sld [smem:$0x3FAA]  }
0x30: {  	s3 =	sld [smem:$0x3FAD]  }
0x31: {  	[smem:$0x3FB6] =	sst s10  }
0x32: {  	s10 =	sld [smem:$0x3FB4];
	_ =	sdelay $0x3  }
0x33: {  	p0 =	seq.s32 s10, $0x1;
	s10 =	sld [smem:$0x3FB6];
	_ =	sdelay $0x3  }
0x34: {  	[smem:$0x3FB6] =	sst s10  }
0x35: {  	s10 =	sld [smem:$0x3FB5];
	_ =	sdelay $0x3  }
0x36: {  	p1 =	seq.s32 s10, $0x1;
	s10 =	sld [smem:$0x3FB6];
	_ =	sdelay $0x3  }
0x37: {  	[smem:$0x3FB6] =	sst s10  }
0x38: {  	s10 =	sld [smem:$0x3FB7]  }
0x39: {  	_ = 	snop;
	(pc) =	sbr.ind lr, $3  }
0x3a: {  	_ = 	snop  }
0x3b: {  	_ = 	snop  }
0x3c: {  	p2 =	seq.s32 s10, $0x1;
	s10 =	sld [smem:$0x3FB6]  }
0x3d: {  	_ =	shalt  }
0x3e: {  	_ =	shalt  }
0x3f: {  	_ =	shalt  }
0x40: {  	_ =	shalt  }
0x41: {  	_ =	shalt  }
0x42: {  	_ =	shalt  }
0x43: {  	_ =	shalt  }
0x44: {  	_ =	shalt  }
0x45: {  	_ =	shalt  }
0x46: {  	_ =	shalt  }
0x47: {  	_ =	shalt  }
0x48: {  	_ =	shalt  }
0x49: {  	_ =	shalt  }
0x4a: {  	_ =	shalt  }
0x4b: {  	_ =	shalt  }
0x4c: {  	_ =	shalt  }
0x4d: {  	_ =	shalt  }
0x4e: {  	_ =	shalt  }
0x4f: {  	_ =	shalt  }
0x50: {  	_ =	shalt  }
0x51: {  	_ =	shalt  }
0x52: {  	_ =	shalt  }
0x53: {  	_ =	shalt  }
0x54: {  	_ =	shalt  }
0x55: {  	_ =	shalt  }
0x56: {  	_ =	shalt  }
0x57: {  	_ =	shalt  }
0x58: {  	_ =	shalt  }
0x59: {  	_ =	shalt  }
0x5a: {  	_ =	shalt  }
0x5b: {  	_ =	shalt  }
0x5c: {  	_ =	shalt  }
0x5d: {  	_ =	shalt  }
0x5e: {  	_ =	shalt  }
0x5f: {  	_ =	shalt  }
0x60: {  	_ =	shalt  }
0x61: {  	_ =	shalt  }
0x62: {  	_ =	shalt  }
0x63: {  	_ =	shalt  }
0x64: {  	_ =	shalt  }
0x65: {  	_ =	shalt  }
0x66: {  	_ =	shalt  }
0x67: {  	_ =	shalt  }
0x68: {  	_ =	shalt  }
0x69: {  	_ =	shalt  }
0x6a: {  	_ =	shalt  }
0x6b: {  	_ =	shalt  }
0x6c: {  	_ =	shalt  }
0x6d: {  	_ =	shalt  }
0x6e: {  	_ =	shalt  }
0x6f: {  	_ =	shalt  }
0x70: {  	_ =	shalt  }
0x71: {  	_ =	shalt  }
0x72: {  	_ =	shalt  }
0x73: {  	_ =	shalt  }
0x74: {  	_ =	shalt  }
0x75: {  	_ =	shalt  }
0x76: {  	_ =	shalt  }
0x77: {  	_ =	shalt  }
0x78: {  	_ =	shalt  }
0x79: {  	_ =	shalt  }
0x7a: {  	_ =	shalt  }
0x7b: {  	_ =	shalt  }
0x7c: {  	_ =	shalt  }
0x7d: {  	_ =	shalt  }
0x7e: {  	_ =	shalt  }
0x7f: {  	_ =	shalt  }
0x80: {  	_ =	shalt  }
0x81: {  	_ =	shalt  }
0x82: {  	_ =	shalt  }
0x83: {  	_ =	shalt  }
0x84: {  	_ =	shalt  }
0x85: {  	_ =	shalt  }
0x86: {  	_ =	shalt  }
0x87: {  	_ =	shalt  }
.Lfunc_end0:
.L_simem_size_0:
called_computation_lowered:
.L_overlay_start_0:
0x88: {  	s2 =	sld [smem:$0x3FD9]  }
0x89: {  	s3 =	sld [smem:$0x3FFE];
	_ =	sdelay $0x1  }
0x8a: {  	s1 =	srdreg.scid  }
0x8b: {  	s0 =	sand.u32 $0x1, s1  }
0x8c: {  	s14 =	sshll.u32 s0, $0xA;
	s2 =	sadd.s32 s3, s2  }
0x8d: {  	s2 =	sadd.s32 s2, s14  }
0x8e: {  	[smem:$0x3FC2] =	sst s2  }
0x8f: {  	_ = 	snop  }
0x90: {  	s2 =	sld [smem:$0x3FD0];
	_ =	sdelay $0x2  }
0x91: {  	s15 =	simm.s32 $0xA;
	s4 =	simm.s32 $0x10  }
0x92: {  	[smem:s4], [sflag:s15] =	dma.local [hbm:s2], $0x1  }
0x93: {  	_ =	swait.eq [sflag:s15], $0x1  }
0x94: {  	[sflag:s15] =	ssyncset.done $0x0  }
0x95: {  	s16 =	sld [smem:$0x10];
	[sflag:s15] =	ssyncadd.s32 $0xFFFFFFFF  }
0x96: {  	s17 =	sld [smem:$0x11];
	(tm) =	ssettm $0x1  }
0x97: {  	s18 =	sld [smem:$0x3FFB];
	_ =	sdelay $0x3  }
0x98: {  	_ =	strace s18  }
0x99: {  	s4 =	sld [smem:$0x3FFC];
	_ =	sdelay $0x3  }
0x9a: {  	_ =	strace s4  }
0x9b: {  	s4 =	sld [smem:$0x3FFD];
	_ =	sdelay $0x3  }
0x9c: {  	_ =	strace s4  }
0x9d: {  	_ =	strace $0x8FFFFFFF  }
0x9e: {  	s19 =	sld [smem:$0x3FDB];
	_ =	sdelay $0x1  }
0x9f: {  	s5 =	simm.s32 $_scs_section_size  }
0xa0: {  	s6 =	simm.s32 $_size__tile_overlayer_lowered;
	s7 =	simm.s32 $_tile_overlayer_lowered  }
0xa1: {  	s22 =	simm.s32 $0x1BFF;
	s21 =	sshll.u32 s7, $0x1;
	s4 =	sadd.s32 s5, s19  }
0xa2: {  	s8 =	simm.s32 $0x0;
	s20 =	sshll.u32 s6, $0x1;
	s6 =	sadd.s32 s21, s4  }
0xa3: {  	[timem:s8], [sflag:s22] =	dma.local [hbm:s6], s20  }
0xa4: {  	_ =	swait.ge [sflag:s22], s20  }
0xa5: {  	s5 =	ssub.s32 $0x0, s20;
	[sflag:s22] =	ssyncset.done $0x0  }
0xa6: {  	[sflag:s22] =	ssyncadd.s32 s5;
	_ =	sdelay $0x1  }
0xa7: {  	s23 =	simm.s32 $0x1B8B  }
0xa8: {  	_ =	swait.ge [sflag:s23], $0x1  }
0xa9: {  	[sflag:s23] =	ssyncset.done $0x0  }
0xaa: {  	s25 =	simm.s32 $0x1B8E;
	s24 =	sld [smem:$0x3FFE];
	[sflag:s23] =	ssyncadd.s32 $0xFFFFFFFF  }
0xab: {  	s26 =	simm.s32 $execute0_lowered;
	[smem:$0x3FD2] =	sst s25  }
0xac: {  	s6 =	sshll.u32 s26, $0x1;
	_ =	strace $0x80000046;
	[dreg:$0x1] =	wrdreg $0xFFFFFFFF  }
0xad: {  	s28 =	simm.s32 $_size_execute0_lowered;
	s4 =	sadd.s32 s4, s6;
	[dreg:$0x0] =	wrdreg $0x0  }
0xae: {  	s6 =	sshll.u32 s28, $0x1;
	[dreg:$0x2] =	wrdreg s4  }
0xaf: {  	[dreg:$0x3] =	wrdreg s6  }
0xb0: {  	[dreg:$0x4] =	wrdreg $0xC0  }
0xb1: {  	_ =	task [dreg:s8], $0x5FFFF  }
0xb2: {  	[dreg:$0x1] =	wrdreg $0xFFFFFFFF  }
0xb3: {  	[dreg:$0x0] =	wrdreg $0x60  }
0xb4: {  	[dreg:$0x2] =	wrdreg s16  }
0xb5: {  	[dreg:$0x3] =	wrdreg s24  }
0xb6: {  	[dreg:$0x4] =	wrdreg s17  }
0xb7: {  	[dreg:$0x5] =	wrdreg $0x0  }
0xb8: {  	[dreg:$0x6] =	wrdreg $0x9  }
0xb9: {  	_ =	task.clear_ibuf [dreg:s8], $0x7FFFF;
	_ =	strace $0x90000046  }
0xba: {  	s29 =	simm.s32 $0x9;
	_ =	strace $0x80000048  }
0xbb: {  	_ =	swait.ge [sflag:s29], $0x1  }
0xbc: {  	[sflag:s29] =	ssyncadd.s32 $0xFFFFFFFF  }
0xbd: {  	_ =	strace $0x90000048  }
0xbe: {  	_ =	sfence  }
0xbf: {  	s30 =	sld [smem:$0x0];
	_ =	sdelay $0x2  }
0xc0: {  	s31 =	sshll.u32 s1, $0xD;
	s1 =	sshrl.u32 s1, $0x2  }
0xc1: {  	s3 =	sand.u32 $0x4000, s31;
	s1 =	sadd.s32 s1, s30  }
0xc2: {  	s0 =	sor.u32 s3, s0;
	s1 =	sshll.u32 s1, $0x11  }
0xc3: {  	s0 =	sor.u32 s1, s0  }
0xc4: {  	s0 =	sadd.s32 $0x8F2B, s0  }
0xc5: {  	[sflag:s0] =	ssyncadd.remote.s32 $0x1  }
0xc6: {  	_ =	sfence.sel $0xFFFF  }
0xc7: {  	[dreg:$0x0] =	wrdreg $0xFFFFFFFF;
	(pc) =	sbr.abs _section_cstart, $3  }
0xc8: {  	[dreg:$0x1] =	wrdreg $0xFFFFFFFF  }
0xc9: {  	_ =	task.clear_ibuf [dreg:s8], $0x2FFFF;
	_ =	strace $0x9FFFFFFF  }
0xca: {  	(tm) =	ssettm $0x7FFFFFFF  }
0xcb: {  	_ =	shalt  }
tec
execute0_lowered:
.L_overlay_start_1:
0x0: {  	(tag) =	ssettag $0x1  }
0x1: {  	s7 =	rddreg [dreg:$0x0]  }
0x2: {  	s5 =	rddreg [dreg:$0x1]  }
0x3: {  	s8 =	rddreg [dreg:$0x2]  }
0x4: {  	s1 =	rddreg [dreg:$0x3]  }
0x5: {  	s0 =	rddreg [dreg:$0x4];
	s2 =	simm.s32 $0x0;
	s3 =	srdreg.scid  }
0x6: {  	s14 =	simm.s32 $0x64;
	s15 =	simm.s32 $0x1;
	s16 =	simm.s32 $0x20  }
0x7: {  	s17 =	simm.s32 $0x10;
	s18 =	simm.s32 $0x0;
	[smem:$0x7FF] =	sst s2  }
0x8: {  	s6 =	sand.u32 $0x1, s3;
	s4 =	sadd.s32 $0x2600, s5;
	s3 =	stileid.u32  }
0x9: {  	s5 =	sadd.s32 $0x2400, s5;
	_ =	strace $0x80000047;
	s9 =	ssub.s32 $0x2, s6  }
0xa: {  	s11 =	smul.u32 $0xA00, s3;
	s31 =	sshll.u32 s3, $0x1;
	s10 =	sshrl.u32 s9, $0x1  }
0xb: {  	s12 =	smul.u32 $0x500, s3;
	s13 =	sshll.u32 s3, $0x6;
	s9 =	ssub.s32 s9, s10  }
0xc: {  	s11 =	sshrl.u32 s11, $0x2;
	s10 =	sor.u32 s6, s31;
	s6 =	sshll.u32 s6, $0x7  }
0xd: {  	s10 =	smul.u32 $0x680, s10;
	s12 =	sor.u32 s6, s12;
	s11 =	sadd.s32 s11, s1  }
0xe: {  	s6 =	sor.u32 $0x1C02, s13;
	s9 =	smax.u32 s9, $0x1;
	s12 =	sshrl.u32 s12, $0x3  }
0xf: {  	s13 =	simm.s32 $0x280;
	s7 =	sadd.s32 s7, s10;
	s8 =	sadd.s32 s8, s12  }
0x10: {  	s10 =	sshrl.u32 s11, $0x3;
	s11 =	simm.s32 $0x2;
	s12 =	simm.s32 $0x3680  }
.LBB2_1:
0x11: {  	[spmem:s10], [sflag:s6] =	dma.local [hbm:s4], $0x50  }
0x12: {  	_ =	swait.ge [sflag:s11], $0x50  }
0x13: {  	[sflag:s11] =	ssyncset.done $0x0  }
0x14: {  	[sflag:s11] =	ssyncadd.s32 $0xFFFFFFB0  }
0x15: {  	[tilespmem:s12], [sflag:$0x2] =	stream.linear.gather [hbm4b:s5+s2], $0x80, $0x38;
	[tilespmem:$0x3700] =	vst v63  }
0x16: {  	_ =	swait.ge [sflag:s11], $0x80  }
0x17: {  	[sflag:s11] =	ssyncset.done $0x0  }
0x18: {  	[sflag:s11] =	ssyncadd.s32 $0xFFFFFF80  }
0x19: {  	[tilespmem:s13], [sflag:$0x2] =	stream.linear.gather [hbm4b:s7+s2], $0x3200, $0x38;
	[tilespmem:$0x3700] =	vst v63  }
0x1a: {  	_ =	swait.ge [sflag:s11], $0x3200  }
0x1b: {  	[sflag:s11] =	ssyncset.done $0x0  }
0x1c: {  	[sflag:s11] =	ssyncadd.s32 $0xFFFFCE00  }
0x1d: {  	s19 =	simm.s32 $0x280;
	[bflag:$0x0] =	sbarrier.arrive $0xFFFF  }
0x1e: {  	[spmem:s1] =	stream.indirect.scatter.add.f32 [tilespmem:s12], [sflag:$0x1], $0x1, s19, s14, $0xb8;
	[tilespmem:$0x3700] =	vst v63  }
0x1f: {  	s22 =	simm.s32 $0x300  }
0x20: {  	[spmem:s1] =	stream.indirect.scatter.add.f32 [tilespmem:s12], [sflag:$0x1], $0x1, s22, s14, $0xb8;
	[tilespmem:$0x3700] =	vst v63  }
0x21: {  	s23 =	simm.s32 $0x380  }
0x22: {  	[spmem:s1] =	stream.indirect.scatter.add.f32 [tilespmem:s12], [sflag:$0x1], $0x1, s23, s14, $0xb8;
	[tilespmem:$0x3700] =	vst v63  }
0x23: {  	s24 =	simm.s32 $0x400  }
0x24: {  	[spmem:s1] =	stream.indirect.scatter.add.f32 [tilespmem:s12], [sflag:$0x1], $0x1, s24, s14, $0xb8;
	[tilespmem:$0x3700] =	vst v63  }
0x25: {  	s25 =	simm.s32 $0x480  }
0x26: {  	[spmem:s1] =	stream.indirect.scatter.add.f32 [tilespmem:s12], [sflag:$0x1], $0x1, s25, s14, $0xb8;
	[tilespmem:$0x3700] =	vst v63  }
0x27: {  	s26 =	simm.s32 $0x500  }
0x28: {  	[spmem:s1] =	stream.indirect.scatter.add.f32 [tilespmem:s12], [sflag:$0x1], $0x1, s26, s14, $0xb8;
	[tilespmem:$0x3700] =	vst v63  }
0x29: {  	s28 =	simm.s32 $0x580  }
0x2a: {  	[spmem:s1] =	stream.indirect.scatter.add.f32 [tilespmem:s12], [sflag:$0x1], $0x1, s28, s14, $0xb8;
	[tilespmem:$0x3700] =	vst v63  }
0x2b: {  	s29 =	simm.s32 $0x600  }
0x2c: {  	[spmem:s1] =	stream.indirect.scatter.add.f32 [tilespmem:s12], [sflag:$0x1], $0x1, s29, s14, $0xb8;
	[tilespmem:$0x3700] =	vst v63  }
0x2d: {  	s30 =	simm.s32 $0x680  }
0x2e: {  	[spmem:s1] =	stream.indirect.scatter.add.f32 [tilespmem:s12], [sflag:$0x1], $0x1, s30, s14, $0xb8;
	[tilespmem:$0x3700] =	vst v63  }
0x2f: {  	s31 =	simm.s32 $0x700  }
0x30: {  	[spmem:s1] =	stream.indirect.scatter.add.f32 [tilespmem:s12], [sflag:$0x1], $0x1, s31, s14, $0xb8;
	[tilespmem:$0x3700] =	vst v63  }
0x31: {  	_ =	swait.ge [sflag:s15], $0x64  }
0x32: {  	[sflag:s15] =	ssyncset.done $0x0  }
0x33: {  	[sflag:s15] =	ssyncadd.s32 $0xFFFFFF9C  }
0x34: {  	_ =	swait.ge [sflag:s15], $0x64  }
0x35: {  	[sflag:s15] =	ssyncset.done $0x0  }
0x36: {  	[sflag:s15] =	ssyncadd.s32 $0xFFFFFF9C  }
0x37: {  	_ =	swait.ge [sflag:s15], $0x64  }
0x38: {  	[sflag:s15] =	ssyncset.done $0x0  }
0x39: {  	[sflag:s15] =	ssyncadd.s32 $0xFFFFFF9C  }
0x3a: {  	_ =	swait.ge [sflag:s15], $0x64  }
0x3b: {  	[sflag:s15] =	ssyncset.done $0x0  }
0x3c: {  	[sflag:s15] =	ssyncadd.s32 $0xFFFFFF9C  }
0x3d: {  	_ =	swait.ge [sflag:s15], $0x64  }
0x3e: {  	[sflag:s15] =	ssyncset.done $0x0  }
0x3f: {  	[sflag:s15] =	ssyncadd.s32 $0xFFFFFF9C  }
0x40: {  	_ =	swait.ge [sflag:s15], $0x64  }
0x41: {  	[sflag:s15] =	ssyncset.done $0x0  }
0x42: {  	[sflag:s15] =	ssyncadd.s32 $0xFFFFFF9C  }
0x43: {  	_ =	swait.ge [sflag:s15], $0x64  }
0x44: {  	[sflag:s15] =	ssyncset.done $0x0  }
0x45: {  	[sflag:s15] =	ssyncadd.s32 $0xFFFFFF9C  }
0x46: {  	_ =	swait.ge [sflag:s15], $0x64  }
0x47: {  	[sflag:s15] =	ssyncset.done $0x0  }
0x48: {  	[sflag:s15] =	ssyncadd.s32 $0xFFFFFF9C  }
0x49: {  	_ =	swait.ge [sflag:s15], $0x64  }
0x4a: {  	[sflag:s15] =	ssyncset.done $0x0  }
0x4b: {  	[sflag:s15] =	ssyncadd.s32 $0xFFFFFF9C  }
0x4c: {  	_ =	swait.ge [sflag:s15], $0x64  }
0x4d: {  	s21 =	simm.s32 $0x500;
	s22 =	simm.s32 $0x2800;
	[sflag:s15] =	ssyncset.done $0x0  }
.LBB2_2:
0x4e: {  	s23 =	sadd.s32 $0x280, s21  }
0x4f: {  	[sflag:s15] =	ssyncadd.s32 $0xFFFFFF9C;
	s20 =	smov.u32 s22;
	s19 =	sadd.s32 $0x1400, s22  }
0x50: {  	[spmem:s1] =	stream.indirect.scatter.add.f32 [tilespmem:s12], [sflag:$0x1], $0x1, s23, s14, $0xb8;
	[tilespmem:$0x3700] =	vst v63  }
0x51: {  	p0 =	sne.s32 s22, $0xB400;
	s22 =	sadd.s32 $0x300, s21  }
0x52: {  	[spmem:s1] =	stream.indirect.scatter.add.f32 [tilespmem:s12], [sflag:$0x1], $0x1, s22, s14, $0xb8;
	[tilespmem:$0x3700] =	vst v63  }
0x53: {  	s22 =	sadd.s32 $0x380, s21  }
0x54: {  	[spmem:s1] =	stream.indirect.scatter.add.f32 [tilespmem:s12], [sflag:$0x1], $0x1, s22, s14, $0xb8;
	[tilespmem:$0x3700] =	vst v63  }
0x55: {  	s22 =	sadd.s32 $0x400, s21  }
0x56: {  	[spmem:s1] =	stream.indirect.scatter.add.f32 [tilespmem:s12], [sflag:$0x1], $0x1, s22, s14, $0xb8;
	[tilespmem:$0x3700] =	vst v63  }
0x57: {  	s22 =	sadd.s32 $0x480, s21  }
0x58: {  	[spmem:s1] =	stream.indirect.scatter.add.f32 [tilespmem:s12], [sflag:$0x1], $0x1, s22, s14, $0xb8;
	[tilespmem:$0x3700] =	vst v63  }
0x59: {  	s22 =	sadd.s32 $0x500, s21  }
0x5a: {  	[spmem:s1] =	stream.indirect.scatter.add.f32 [tilespmem:s12], [sflag:$0x1], $0x1, s22, s14, $0xb8;
	[tilespmem:$0x3700] =	vst v63  }
0x5b: {  	s22 =	sadd.s32 $0x580, s21  }
0x5c: {  	[spmem:s1] =	stream.indirect.scatter.add.f32 [tilespmem:s12], [sflag:$0x1], $0x1, s22, s14, $0xb8;
	[tilespmem:$0x3700] =	vst v63  }
0x5d: {  	s22 =	sadd.s32 $0x600, s21  }
0x5e: {  	[spmem:s1] =	stream.indirect.scatter.add.f32 [tilespmem:s12], [sflag:$0x1], $0x1, s22, s14, $0xb8;
	[tilespmem:$0x3700] =	vst v63  }
0x5f: {  	s22 =	sadd.s32 $0x680, s21  }
0x60: {  	[spmem:s1] =	stream.indirect.scatter.add.f32 [tilespmem:s12], [sflag:$0x1], $0x1, s22, s14, $0xb8;
	[tilespmem:$0x3700] =	vst v63  }
0x61: {  	s21 =	sadd.s32 $0x700, s21  }
0x62: {  	[spmem:s1] =	stream.indirect.scatter.add.f32 [tilespmem:s12], [sflag:$0x1], $0x1, s21, s14, $0xb8;
	[tilespmem:$0x3700] =	vst v63  }
0x63: {  	_ =	swait.ge [sflag:s15], $0x64  }
0x64: {  	[sflag:s15] =	ssyncset.done $0x0  }
0x65: {  	[sflag:s15] =	ssyncadd.s32 $0xFFFFFF9C  }
0x66: {  	_ =	swait.ge [sflag:s15], $0x64  }
0x67: {  	[sflag:s15] =	ssyncset.done $0x0  }
0x68: {  	[sflag:s15] =	ssyncadd.s32 $0xFFFFFF9C  }
0x69: {  	_ =	swait.ge [sflag:s15], $0x64  }
0x6a: {  	[sflag:s15] =	ssyncset.done $0x0  }
0x6b: {  	[sflag:s15] =	ssyncadd.s32 $0xFFFFFF9C  }
0x6c: {  	_ =	swait.ge [sflag:s15], $0x64  }
0x6d: {  	[sflag:s15] =	ssyncset.done $0x0  }
0x6e: {  	[sflag:s15] =	ssyncadd.s32 $0xFFFFFF9C  }
0x6f: {  	_ =	swait.ge [sflag:s15], $0x64  }
0x70: {  	[sflag:s15] =	ssyncset.done $0x0  }
0x71: {  	[sflag:s15] =	ssyncadd.s32 $0xFFFFFF9C  }
0x72: {  	_ =	swait.ge [sflag:s15], $0x64  }
0x73: {  	[sflag:s15] =	ssyncset.done $0x0  }
0x74: {  	[sflag:s15] =	ssyncadd.s32 $0xFFFFFF9C  }
0x75: {  	_ =	swait.ge [sflag:s15], $0x64  }
0x76: {  	[sflag:s15] =	ssyncset.done $0x0  }
0x77: {  	[sflag:s15] =	ssyncadd.s32 $0xFFFFFF9C  }
0x78: {  	_ =	swait.ge [sflag:s15], $0x64  }
0x79: {  	[sflag:s15] =	ssyncset.done $0x0  }
0x7a: {  	[sflag:s15] =	ssyncadd.s32 $0xFFFFFF9C  }
.Ltmp0:
0x7b: {  	_ =	swait.ge [sflag:s15], $0x64;
	(pc) =	sbr.rel @p0 .LBB2_2-.Ltmp0, $4  }
0x7c: {  	[sflag:s15] =	ssyncset.done $0x0  }
0x7d: {  	[sflag:s15] =	ssyncadd.s32 $0xFFFFFF9C  }
0x7e: {  	_ =	swait.ge [sflag:s15], $0x64  }
0x7f: {  	s22 =	smov.u32 s19;
	s21 =	sshra.s32 s20, $0x2;
	[sflag:s15] =	ssyncset.done $0x0  }
0x80: {  	s19 =	sadd.s32 $0x280, s21;
	[sflag:s15] =	ssyncadd.s32 $0xFFFFFF9C  }
0x81: {  	[spmem:s1] =	stream.indirect.scatter.add.f32 [tilespmem:s12], [sflag:$0x1], $0x1, s19, s14, $0xb8;
	[tilespmem:$0x3700] =	vst v63  }
0x82: {  	s22 =	sadd.s32 $0x300, s21  }
0x83: {  	[spmem:s1] =	stream.indirect.scatter.add.f32 [tilespmem:s12], [sflag:$0x1], $0x1, s22, s14, $0xb8;
	[tilespmem:$0x3700] =	vst v63  }
0x84: {  	s23 =	sadd.s32 $0x380, s21  }
0x85: {  	[spmem:s1] =	stream.indirect.scatter.add.f32 [tilespmem:s12], [sflag:$0x1], $0x1, s23, s14, $0xb8;
	[tilespmem:$0x3700] =	vst v63  }
0x86: {  	s24 =	sadd.s32 $0x400, s21  }
0x87: {  	[spmem:s1] =	stream.indirect.scatter.add.f32 [tilespmem:s12], [sflag:$0x1], $0x1, s24, s14, $0xb8;
	[tilespmem:$0x3700] =	vst v63  }
0x88: {  	s25 =	sadd.s32 $0x480, s21  }
0x89: {  	[spmem:s1] =	stream.indirect.scatter.add.f32 [tilespmem:s12], [sflag:$0x1], $0x1, s25, s14, $0xb8;
	[tilespmem:$0x3700] =	vst v63  }
0x8a: {  	s26 =	sadd.s32 $0x500, s21  }
0x8b: {  	[spmem:s1] =	stream.indirect.scatter.add.f32 [tilespmem:s12], [sflag:$0x1], $0x1, s26, s14, $0xb8;
	[tilespmem:$0x3700] =	vst v63  }
0x8c: {  	s28 =	sadd.s32 $0x580, s21  }
0x8d: {  	[spmem:s1] =	stream.indirect.scatter.add.f32 [tilespmem:s12], [sflag:$0x1], $0x1, s28, s14, $0xb8;
	[tilespmem:$0x3700] =	vst v63  }
0x8e: {  	s29 =	sadd.s32 $0x600, s21  }
0x8f: {  	[spmem:s1] =	stream.indirect.scatter.add.f32 [tilespmem:s12], [sflag:$0x1], $0x1, s29, s14, $0xb8;
	[tilespmem:$0x3700] =	vst v63  }
0x90: {  	s30 =	sadd.s32 $0x680, s21  }
0x91: {  	[spmem:s1] =	stream.indirect.scatter.add.f32 [tilespmem:s12], [sflag:$0x1], $0x1, s30, s14, $0xb8;
	[tilespmem:$0x3700] =	vst v63  }
0x92: {  	s31 =	sadd.s32 $0x700, s21  }
0x93: {  	[spmem:s1] =	stream.indirect.scatter.add.f32 [tilespmem:s12], [sflag:$0x1], $0x1, s31, s14, $0xb8;
	[tilespmem:$0x3700] =	vst v63  }
0x94: {  	_ =	swait.ge [sflag:s15], $0x64  }
0x95: {  	[sflag:s15] =	ssyncset.done $0x0  }
0x96: {  	[sflag:s15] =	ssyncadd.s32 $0xFFFFFF9C  }
0x97: {  	_ =	swait.ge [sflag:s15], $0x64  }
0x98: {  	[sflag:s15] =	ssyncset.done $0x0  }
0x99: {  	[sflag:s15] =	ssyncadd.s32 $0xFFFFFF9C  }
0x9a: {  	_ =	swait.ge [sflag:s15], $0x64  }
0x9b: {  	[sflag:s15] =	ssyncset.done $0x0  }
0x9c: {  	[sflag:s15] =	ssyncadd.s32 $0xFFFFFF9C  }
0x9d: {  	_ =	swait.ge [sflag:s15], $0x64  }
0x9e: {  	[sflag:s15] =	ssyncset.done $0x0  }
0x9f: {  	[sflag:s15] =	ssyncadd.s32 $0xFFFFFF9C  }
0xa0: {  	_ =	swait.ge [sflag:s15], $0x64  }
0xa1: {  	[sflag:s15] =	ssyncset.done $0x0  }
0xa2: {  	[sflag:s15] =	ssyncadd.s32 $0xFFFFFF9C  }
0xa3: {  	_ =	swait.ge [sflag:s15], $0x64  }
0xa4: {  	[sflag:s15] =	ssyncset.done $0x0  }
0xa5: {  	[sflag:s15] =	ssyncadd.s32 $0xFFFFFF9C  }
0xa6: {  	_ =	swait.ge [sflag:s15], $0x64  }
0xa7: {  	[sflag:s15] =	ssyncset.done $0x0  }
0xa8: {  	[sflag:s15] =	ssyncadd.s32 $0xFFFFFF9C  }
0xa9: {  	_ =	swait.ge [sflag:s15], $0x64  }
0xaa: {  	[sflag:s15] =	ssyncset.done $0x0  }
0xab: {  	[sflag:s15] =	ssyncadd.s32 $0xFFFFFF9C  }
0xac: {  	_ =	swait.ge [sflag:s15], $0x64  }
0xad: {  	[sflag:s15] =	ssyncset.done $0x0  }
0xae: {  	[sflag:s15] =	ssyncadd.s32 $0xFFFFFF9C  }
0xaf: {  	_ =	swait.ge [sflag:s15], $0x64  }
0xb0: {  	s18 =	sadd.s32 $0x1, s18;
	[sflag:s15] =	ssyncset.done $0x0  }
0xb1: {  	p0 =	sne.s32 s18, s9;
	[sflag:s15] =	ssyncadd.s32 $0xFFFFFF9C  }
.Ltmp1:
0xb2: {  	[bflag:$0x0] =	sbarrier.arrive $0xFFFF;
	(pc) =	sbr.rel @p0 .LBB2_1-.Ltmp1, $4  }
0xb3: {  	[hbm:s8@s16], [sflag:s6] =	dma.strided [spmem:s10@s17], $0x50, s15, $0x10   }
0xb4: {  	_ =	swait.ge [sflag:s11], $0x50  }
0xb5: {  	[sflag:s11] =	ssyncset.done $0x0  }
0xb6: {  	[sflag:s11] =	ssyncadd.s32 $0xFFFFFFB0  }
0xb7: {  	_ =	sfence.sel $0x180000  }
0xb8: {  	[bflag:$0x0] =	sbarrier.arrive $0xFFFF  }
0xb9: {  	p0 =	sne.s32 s3, $0x0;
	_ =	strace $0x90000047  }
0xba: {  	s0 =	sadd.s32 @!p0 $0x100000, s0;
	[bflag:$0x2] =	sbarrier.arrive $0xFFFF  }
0xbb: {  	[sflag:s0] =	ssyncadd.tile.s32 @!p0 $0x1;
	_ =	shalt  }
.Lfunc_end2:
_tile_overlayer_lowered:
.L_overlay_start_2:
0xbc: {  	(tag) =	ssettag $0x2  }
0xbd: {  	s0 =	rddreg [dreg:$0x0];
	s2 =	stileid.u32  }
0xbe: {  	s1 =	rddreg [dreg:$0x1];
	p0 =	sne.s32 s2, $0x0  }
0xbf: {  	s3 =	rddreg [dreg:$0x2];
	[bflag:$0x3] =	sbarrier.arrive $0xFFFF;
	s2 =	simm.s32 @!p0 $0x1C02  }
0xc0: {  	[timem:s3], [sflag:s2] =	dma.local @!p0 [hbm:s0], s1  }
0xc1: {  	s0 =	simm.s32 @!p0 $0x2  }
0xc2: {  	_ =	swait.ge @!p0 [sflag:s0], s1  }
0xc3: {  	s1 =	ssub.s32 @!p0 $0x0, s1;
	[sflag:s0] =	ssyncset.done @!p0 $0x0  }
0xc4: {  	[sflag:s0] =	ssyncadd.s32 @!p0 s1  }
0xc5: {  	[bflag:$0x3] =	sbarrier.arrive $0xFFFF  }
0xc6: {  	_ =	shalt  }

</sc_bundles>
